<compile_context>
chip_gen: v7x
topology: tpu7x:2x2x1
jax: 0.10.2.dev20260603
libtpu: 0.0.44.dev20260713+nightly
codegen_flags: <defaults>
</compile_context>

<pallas_src>
import functools

import jax
import jax.numpy as jnp
from jax import lax
from jax.experimental import pallas as pl
from jax.experimental.pallas import tpu as pltpu
from jax.experimental.pallas import tpu_sc as plsc

B = 4
S = 4096
H = 2048
NV = 1024
NJ = B * NV
NROWS = B * S
NC = 2
NS = 16
NW = NC * NS
RPW = NROWS // NW
MWORDS = RPW // 2 + 1
L0 = 272
LN = RPW + 16


def _body(text_hbm, vis_hbm, vidx_hbm, out_hbm,
          fidx_v, rbuf_v, sm, csem, gsem):
    wid = lax.axis_index("s") * NC + lax.axis_index("c")
    lo = wid * RPW

    cp = pltpu.async_copy(
        text_hbm.at[pl.ds(lo, RPW)], out_hbm.at[pl.ds(lo, RPW)], csem)

    pltpu.sync_copy(vidx_hbm, fidx_v)

    def init_step(i, carry):
        sm[i] = 0
        return carry
    lax.fori_loop(0, MWORDS, init_step, 0)

    def dedup_step(g, carry):
        v = fidx_v[pl.ds(g * 16, 16)]
        base = lax.shift_left(lax.shift_right_logical(g, 6), 12) - lo
        jbase = g * 16
        for l in range(16):
            idx = v[l]
            a = idx + base
            ok = jnp.logical_and(
                jnp.logical_and(a >= 0, a < RPW), idx != 0)
            a = lax.select(ok, a, RPW + 1)
            wi = lax.shift_right_logical(a, 1)
            half = lax.bitwise_and(a, 1)
            sh = lax.shift_left(half, 4)
            keep = lax.select(half == 1, jnp.int32(65535), jnp.int32(-65536))
            sm[wi] = lax.bitwise_or(
                lax.bitwise_and(sm[wi], keep),
                lax.shift_left(jbase + l + 1, sh))
        return carry
    lax.fori_loop(0, NJ // 16, dedup_step, 0)

    def compact_step(r, m):
        w = sm[lax.shift_right_logical(r, 1)]
        val = lax.bitwise_and(
            lax.shift_right_logical(
                w, lax.shift_left(lax.bitwise_and(r, 1), 4)),
            jnp.int32(65535))
        ok = val > 0
        q = lax.select(ok, m, RPW + lax.bitwise_and(r, 15))
        sm[L0 + q] = lax.bitwise_or(lax.shift_left(val - 1, 9), r)
        return m + lax.select(ok, 1, 0)
    m = lax.fori_loop(0, RPW, compact_step, 0)

    @pl.when(m > 0)
    def _pad():
        p0 = sm[L0]

        def pad_step(p, carry):
            sm[L0 + p] = p0
            return carry
        lax.fori_loop(m, lax.mul(lax.div(m + 15, 16), 16), pad_step, 0)

    cp.wait()

    nch = lax.div(m + 15, 16)

    iota = lax.iota(jnp.int32, 16)

    def chunk_step(c, carry):
        base = L0 + c * 16
        w = jnp.zeros((16,), jnp.int32)
        for l in range(16):
            w = jnp.where(iota == l, sm[base + l], w)
        svec = lax.shift_right_logical(w, 9)
        dvec = lax.bitwise_and(w, jnp.int32(RPW - 1)) + lo
        pltpu.async_copy(vis_hbm.at[svec], rbuf_v, gsem).wait()
        pltpu.sync_copy(rbuf_v, out_hbm.at[dvec])
        return carry
    lax.fori_loop(0, nch, chunk_step, 0)


@functools.partial(jax.jit, static_argnames=())
def kernel(vision_embeddings, text_embeddings, vision_indices):
    text_flat = jnp.reshape(text_embeddings, (NROWS, H))
    vidx_flat = jnp.reshape(vision_indices.astype(jnp.int32), (NJ,))

    out = pl.kernel(
        _body,
        out_type=jax.ShapeDtypeStruct((NROWS, H), jnp.float32),
        mesh=plsc.VectorSubcoreMesh(
            core_axis_name="c", subcore_axis_name="s",
            num_cores=NC, num_subcores=NS),
        scratch_types=[
            pltpu.VMEM((NJ,), jnp.int32),
            pltpu.VMEM((16, H), jnp.float32),
            pltpu.SMEM((1024,), jnp.int32),
            pltpu.SemaphoreType.DMA,
            pltpu.SemaphoreType.DMA,
        ],
    )(text_flat, vision_embeddings, vidx_flat)
    return jnp.reshape(out, (B, S, H))

# --- scband reference (transcript-rebuilt; emitter-appended) ---
"""Pipeline reference for scband-qwen2-vlinterleave-embeddings-13134009991215 (READ-ONLY COPY).

The authoritative reference and input builder live on the scoring server;
editing this copy changes nothing except your own understanding.
"""

import jax, jax.numpy as jnp
import numpy as np

B, S, H = 4, 4096, 2048
NV = 1024  # vision tokens per batch element


def setup_inputs(seed: int = 0) -> dict:
    key = jax.random.key(seed)
    k1, k2, k3 = jax.random.split(key, 3)
    vision_embeddings = jax.random.normal(k1, (B * NV, H), dtype=jnp.float32)
    text_embeddings = jax.random.normal(k2, (B, S, H), dtype=jnp.float32)
    vision_indices = jax.random.randint(k3, (B, NV), 0, S, dtype=jnp.int32)
    return {
        "vision_embeddings": vision_embeddings,
        "text_embeddings": text_embeddings,
        "vision_indices": vision_indices,
    }


def reference(vision_embeddings, text_embeddings, vision_indices):
    batch_size, seq_length, hidden_dim = text_embeddings.shape
    flat_text = jnp.reshape(text_embeddings, (batch_size * seq_length, hidden_dim))
    flat_vision = vision_embeddings
    offsets = jnp.arange(batch_size, dtype=jnp.int32) * seq_length
    offsets_e = offsets[:, None]
    flat_indices = jnp.reshape(vision_indices.astype(jnp.int32) + offsets_e, (-1,)).astype(jnp.int32)
    # zeroth-index text embedding of each batch row (preserved)
    zeroth = jnp.take(flat_text, offsets, axis=0)
    # scatter-overwrite vision embeddings into flat text embeddings
    rec = flat_text.at[flat_indices].set(flat_vision)
    # restore the zeroth token of each batch element
    rec = rec.at[offsets].set(zeroth)
    return jnp.reshape(rec, (batch_size, seq_length, hidden_dim))

if __name__ == "__main__":
    import jax
    _d = setup_inputs()
    print(jax.jit(kernel)(*tuple(_d.values())))

</pallas_src>

<mosaic_0001>
#map = affine_map<(d0, d1) -> (0, 0)>
#map1 = affine_map<(d0, d1) -> (0)>
module attributes {stable_mosaic.version = 14 : i64} {
  func.func @_body(%arg0: i32, %arg1: i32, %arg2: memref<16384x2048xf32, #tpu.memory_space<hbm>>, %arg3: memref<4096x2048xf32, #tpu.memory_space<hbm>>, %arg4: memref<4096xi32, #tpu.memory_space<hbm>>, %arg5: memref<16384x2048xf32, #tpu.memory_space<hbm>>, %arg6: memref<4096xi32, #tpu.memory_space<vmem>>, %arg7: memref<16x2048xf32, #tpu.memory_space<vmem>>, %arg8: memref<1024xi32, #tpu.memory_space<smem>>, %arg9: memref<!tpu.dma_semaphore, #tpu.memory_space<semaphore_mem>>, %arg10: memref<!tpu.dma_semaphore, #tpu.memory_space<semaphore_mem>>) attributes {dimension_semantics = [#tpu.dimension_semantics<core_parallel>, #tpu.dimension_semantics<subcore_parallel>], iteration_bounds = array<i64: 2, 16>, scalar_prefetch = 0 : i64, scratch_operands = 5 : i64, tpu.core_type = #tpu.core_type<sc_vector_subcore>, window_params = [{transform_indices = #map}, {transform_indices = #map}, {transform_indices = #map1}, {transform_indices = #map}]} {
    %mul3A = arith.constant 2 : i32
    %mul3A_0 = arith.muli %arg1, %mul3A : i32
    %add3A = arith.addi %mul3A_0, %arg0 : i32
    %mul3A_1 = arith.constant 512 : i32
    %mul3A_2 = arith.muli %add3A, %mul3A_1 : i32
    %dma_start3A = arith.constant 0 : i32
    %dma_start3A_3 = tpu.memref_slice %arg5[%mul3A_2, %dma_start3A] : memref<16384x2048xf32, #tpu.memory_space<hbm>> -> memref<512x2048xf32, #tpu.memory_space<hbm>>
    %dma_start3A_4 = arith.constant 0 : i32
    %dma_start3A_5 = tpu.memref_slice %arg2[%mul3A_2, %dma_start3A_4] : memref<16384x2048xf32, #tpu.memory_space<hbm>> -> memref<512x2048xf32, #tpu.memory_space<hbm>>
    tpu.enqueue_dma source(%dma_start3A_5 : memref<512x2048xf32, #tpu.memory_space<hbm>>) target(%dma_start3A_3 : memref<512x2048xf32, #tpu.memory_space<hbm>>) target_semaphore(%arg9 : memref<!tpu.dma_semaphore, #tpu.memory_space<semaphore_mem>>)
    "tpu.region"() ({
      %run_scoped3A = tpu.sem_alloc : memref<!tpu.dma_semaphore, #tpu.memory_space<semaphore_mem>>
      tpu.enqueue_dma source(%arg4 : memref<4096xi32, #tpu.memory_space<hbm>>) target(%arg6 : memref<4096xi32, #tpu.memory_space<vmem>>) target_semaphore(%run_scoped3A : memref<!tpu.dma_semaphore, #tpu.memory_space<semaphore_mem>>)
      tpu.wait_dma2 semaphore(%run_scoped3A : memref<!tpu.dma_semaphore, #tpu.memory_space<semaphore_mem>>) src(%arg4 : memref<4096xi32, #tpu.memory_space<hbm>>) dst(%arg6 : memref<4096xi32, #tpu.memory_space<vmem>>)
      tpu.yield
    }) : () -> ()
    %scan3A = arith.constant 0 : i32
    %scan3A_6 = arith.constant 0 : i32
    %scan3A_7 = arith.constant 257 : i32
    %scan3A_8 = arith.addi %scan3A_6, %scan3A_7 : i32
    %scan3A_9 = arith.constant 1 : i32
    scf.for %scan3A_41 = %scan3A_6 to %scan3A_8 step %scan3A_9  : i32 {
      %swap3A = arith.constant 0 : i32
      %swap3A_42 = arith.index_cast %scan3A_41 : i32 to index
      %swap3A_43 = memref.load %arg8[%swap3A_42] : memref<1024xi32, #tpu.memory_space<smem>>
      memref.store %swap3A, %arg8[%swap3A_42] : memref<1024xi32, #tpu.memory_space<smem>>
    }
    %scan3A_10 = arith.constant 257 : i32
    %scan3A_11 = arith.constant 0 : i32
    %scan3A_12 = arith.constant 0 : i32
    %scan3A_13 = arith.constant 256 : i32
    %scan3A_14 = arith.addi %scan3A_12, %scan3A_13 : i32
    %scan3A_15 = arith.constant 1 : i32
    scf.for %scan3A_41 = %scan3A_12 to %scan3A_14 step %scan3A_15  : i32 {
      %mul3A_42 = arith.constant 16 : i32
      %mul3A_43 = arith.muli %scan3A_41, %mul3A_42 : i32
      %get3A = arith.index_cast %mul3A_43 : i32 to index
      %get3A_44 = tpu.vector_load %arg6[%get3A] {strides = array<i32>} : memref<4096xi32, #tpu.memory_space<vmem>>, vector<16xi32>,
      %get3A_45 = vector.shape_cast %get3A_44 : vector<16xi32> to vector<16xi32>
      %shift_right_logical3A = arith.constant 6 : i32
      %shift_right_logical3A_46 = arith.shrui %scan3A_41, %shift_right_logical3A : i32
      %shift_left3A = arith.constant 12 : i32
      %shift_left3A_47 = arith.shli %shift_right_logical3A_46, %shift_left3A : i32
      %sub3A = arith.subi %shift_left3A_47, %mul3A_2 : i32
      %mul3A_48 = arith.constant 16 : i32
      %mul3A_49 = arith.muli %scan3A_41, %mul3A_48 : i32
      %slice3A = vector.extract_strided_slice %get3A_45 {offsets = [0], sizes = [1], strides = [1]} : vector<16xi32> to vector<1xi32>
      %squeeze3A = vector.extract %slice3A[0] : i32 from vector<1xi32>
      %add3A_50 = arith.addi %squeeze3A, %sub3A : i32
      %ge3A = arith.constant 0 : i32
      %ge3A_51 = arith.cmpi sge, %add3A_50, %ge3A : i32
      %lt3A = arith.constant 512 : i32
      %lt3A_52 = arith.cmpi slt, %add3A_50, %lt3A : i32
      %and3A = arith.andi %ge3A_51, %lt3A_52 : i1
      %ne3A = arith.constant 0 : i32
      %ne3A_53 = arith.cmpi ne, %squeeze3A, %ne3A : i32
      %and3A_54 = arith.andi %and3A, %ne3A_53 : i1
      %select_n3A = arith.constant 513 : i32
      %select_n3A_55 = arith.select %and3A_54, %add3A_50, %select_n3A : i32
      %shift_right_logical3A_56 = arith.constant 1 : i32
      %shift_right_logical3A_57 = arith.shrui %select_n3A_55, %shift_right_logical3A_56 : i32
      %and3A_58 = arith.constant 1 : i32
      %and3A_59 = arith.andi %select_n3A_55, %and3A_58 : i32
      %shift_left3A_60 = arith.constant 4 : i32
      %shift_left3A_61 = arith.shli %and3A_59, %shift_left3A_60 : i32
      %eq3A = arith.constant 1 : i32
      %eq3A_62 = arith.cmpi eq, %and3A_59, %eq3A : i32
      %select_n3A_63 = arith.constant -65536 : i32
      %select_n3A_64 = arith.constant 65535 : i32
      %select_n3A_65 = arith.select %eq3A_62, %select_n3A_64, %select_n3A_63 : i32
      %get3A_66 = arith.index_cast %shift_right_logical3A_57 : i32 to index
      %get3A_67 = memref.load %arg8[%get3A_66] : memref<1024xi32, #tpu.memory_space<smem>>
      %and3A_68 = arith.andi %get3A_67, %select_n3A_65 : i32
      %add3A_69 = arith.constant 0 : i32
      %add3A_70 = arith.addi %mul3A_49, %add3A_69 : i32
      %add3A_71 = arith.constant 1 : i32
      %add3A_72 = arith.addi %add3A_70, %add3A_71 : i32
      %shift_left3A_73 = arith.shli %add3A_72, %shift_left3A_61 : i32
      %or3A = arith.ori %and3A_68, %shift_left3A_73 : i32
      %swap3A = arith.index_cast %shift_right_logical3A_57 : i32 to index
      %swap3A_74 = memref.load %arg8[%swap3A] : memref<1024xi32, #tpu.memory_space<smem>>
      memref.store %or3A, %arg8[%swap3A] : memref<1024xi32, #tpu.memory_space<smem>>
      %slice3A_75 = vector.extract_strided_slice %get3A_45 {offsets = [1], sizes = [1], strides = [1]} : vector<16xi32> to vector<1xi32>
      %squeeze3A_76 = vector.extract %slice3A_75[0] : i32 from vector<1xi32>
      %add3A_77 = arith.addi %squeeze3A_76, %sub3A : i32
      %ge3A_78 = arith.constant 0 : i32
      %ge3A_79 = arith.cmpi sge, %add3A_77, %ge3A_78 : i32
      %lt3A_80 = arith.constant 512 : i32
      %lt3A_81 = arith.cmpi slt, %add3A_77, %lt3A_80 : i32
      %and3A_82 = arith.andi %ge3A_79, %lt3A_81 : i1
      %ne3A_83 = arith.constant 0 : i32
      %ne3A_84 = arith.cmpi ne, %squeeze3A_76, %ne3A_83 : i32
      %and3A_85 = arith.andi %and3A_82, %ne3A_84 : i1
      %select_n3A_86 = arith.constant 513 : i32
      %select_n3A_87 = arith.select %and3A_85, %add3A_77, %select_n3A_86 : i32
      %shift_right_logical3A_88 = arith.constant 1 : i32
      %shift_right_logical3A_89 = arith.shrui %select_n3A_87, %shift_right_logical3A_88 : i32
      %and3A_90 = arith.constant 1 : i32
      %and3A_91 = arith.andi %select_n3A_87, %and3A_90 : i32
      %shift_left3A_92 = arith.constant 4 : i32
      %shift_left3A_93 = arith.shli %and3A_91, %shift_left3A_92 : i32
      %eq3A_94 = arith.constant 1 : i32
      %eq3A_95 = arith.cmpi eq, %and3A_91, %eq3A_94 : i32
      %select_n3A_96 = arith.constant -65536 : i32
      %select_n3A_97 = arith.constant 65535 : i32
      %select_n3A_98 = arith.select %eq3A_95, %select_n3A_97, %select_n3A_96 : i32
      %get3A_99 = arith.index_cast %shift_right_logical3A_89 : i32 to index
      %get3A_100 = memref.load %arg8[%get3A_99] : memref<1024xi32, #tpu.memory_space<smem>>
      %and3A_101 = arith.andi %get3A_100, %select_n3A_98 : i32
      %add3A_102 = arith.constant 1 : i32
      %add3A_103 = arith.addi %mul3A_49, %add3A_102 : i32
      %add3A_104 = arith.constant 1 : i32
      %add3A_105 = arith.addi %add3A_103, %add3A_104 : i32
      %shift_left3A_106 = arith.shli %add3A_105, %shift_left3A_93 : i32
      %or3A_107 = arith.ori %and3A_101, %shift_left3A_106 : i32
      %swap3A_108 = arith.index_cast %shift_right_logical3A_89 : i32 to index
      %swap3A_109 = memref.load %arg8[%swap3A_108] : memref<1024xi32, #tpu.memory_space<smem>>
      memref.store %or3A_107, %arg8[%swap3A_108] : memref<1024xi32, #tpu.memory_space<smem>>
      %slice3A_110 = vector.extract_strided_slice %get3A_45 {offsets = [2], sizes = [1], strides = [1]} : vector<16xi32> to vector<1xi32>
      %squeeze3A_111 = vector.extract %slice3A_110[0] : i32 from vector<1xi32>
      %add3A_112 = arith.addi %squeeze3A_111, %sub3A : i32
      %ge3A_113 = arith.constant 0 : i32
      %ge3A_114 = arith.cmpi sge, %add3A_112, %ge3A_113 : i32
      %lt3A_115 = arith.constant 512 : i32
      %lt3A_116 = arith.cmpi slt, %add3A_112, %lt3A_115 : i32
      %and3A_117 = arith.andi %ge3A_114, %lt3A_116 : i1
      %ne3A_118 = arith.constant 0 : i32
      %ne3A_119 = arith.cmpi ne, %squeeze3A_111, %ne3A_118 : i32
      %and3A_120 = arith.andi %and3A_117, %ne3A_119 : i1
      %select_n3A_121 = arith.constant 513 : i32
      %select_n3A_122 = arith.select %and3A_120, %add3A_112, %select_n3A_121 : i32
      %shift_right_logical3A_123 = arith.constant 1 : i32
      %shift_right_logical3A_124 = arith.shrui %select_n3A_122, %shift_right_logical3A_123 : i32
      %and3A_125 = arith.constant 1 : i32
      %and3A_126 = arith.andi %select_n3A_122, %and3A_125 : i32
      %shift_left3A_127 = arith.constant 4 : i32
      %shift_left3A_128 = arith.shli %and3A_126, %shift_left3A_127 : i32
      %eq3A_129 = arith.constant 1 : i32
      %eq3A_130 = arith.cmpi eq, %and3A_126, %eq3A_129 : i32
      %select_n3A_131 = arith.constant -65536 : i32
      %select_n3A_132 = arith.constant 65535 : i32
      %select_n3A_133 = arith.select %eq3A_130, %select_n3A_132, %select_n3A_131 : i32
      %get3A_134 = arith.index_cast %shift_right_logical3A_124 : i32 to index
      %get3A_135 = memref.load %arg8[%get3A_134] : memref<1024xi32, #tpu.memory_space<smem>>
      %and3A_136 = arith.andi %get3A_135, %select_n3A_133 : i32
      %add3A_137 = arith.constant 2 : i32
      %add3A_138 = arith.addi %mul3A_49, %add3A_137 : i32
      %add3A_139 = arith.constant 1 : i32
      %add3A_140 = arith.addi %add3A_138, %add3A_139 : i32
      %shift_left3A_141 = arith.shli %add3A_140, %shift_left3A_128 : i32
      %or3A_142 = arith.ori %and3A_136, %shift_left3A_141 : i32
      %swap3A_143 = arith.index_cast %shift_right_logical3A_124 : i32 to index
      %swap3A_144 = memref.load %arg8[%swap3A_143] : memref<1024xi32, #tpu.memory_space<smem>>
      memref.store %or3A_142, %arg8[%swap3A_143] : memref<1024xi32, #tpu.memory_space<smem>>
      %slice3A_145 = vector.extract_strided_slice %get3A_45 {offsets = [3], sizes = [1], strides = [1]} : vector<16xi32> to vector<1xi32>
      %squeeze3A_146 = vector.extract %slice3A_145[0] : i32 from vector<1xi32>
      %add3A_147 = arith.addi %squeeze3A_146, %sub3A : i32
      %ge3A_148 = arith.constant 0 : i32
      %ge3A_149 = arith.cmpi sge, %add3A_147, %ge3A_148 : i32
      %lt3A_150 = arith.constant 512 : i32
      %lt3A_151 = arith.cmpi slt, %add3A_147, %lt3A_150 : i32
      %and3A_152 = arith.andi %ge3A_149, %lt3A_151 : i1
      %ne3A_153 = arith.constant 0 : i32
      %ne3A_154 = arith.cmpi ne, %squeeze3A_146, %ne3A_153 : i32
      %and3A_155 = arith.andi %and3A_152, %ne3A_154 : i1
      %select_n3A_156 = arith.constant 513 : i32
      %select_n3A_157 = arith.select %and3A_155, %add3A_147, %select_n3A_156 : i32
      %shift_right_logical3A_158 = arith.constant 1 : i32
      %shift_right_logical3A_159 = arith.shrui %select_n3A_157, %shift_right_logical3A_158 : i32
      %and3A_160 = arith.constant 1 : i32
      %and3A_161 = arith.andi %select_n3A_157, %and3A_160 : i32
      %shift_left3A_162 = arith.constant 4 : i32
      %shift_left3A_163 = arith.shli %and3A_161, %shift_left3A_162 : i32
      %eq3A_164 = arith.constant 1 : i32
      %eq3A_165 = arith.cmpi eq, %and3A_161, %eq3A_164 : i32
      %select_n3A_166 = arith.constant -65536 : i32
      %select_n3A_167 = arith.constant 65535 : i32
      %select_n3A_168 = arith.select %eq3A_165, %select_n3A_167, %select_n3A_166 : i32
      %get3A_169 = arith.index_cast %shift_right_logical3A_159 : i32 to index
      %get3A_170 = memref.load %arg8[%get3A_169] : memref<1024xi32, #tpu.memory_space<smem>>
      %and3A_171 = arith.andi %get3A_170, %select_n3A_168 : i32
      %add3A_172 = arith.constant 3 : i32
      %add3A_173 = arith.addi %mul3A_49, %add3A_172 : i32
      %add3A_174 = arith.constant 1 : i32
      %add3A_175 = arith.addi %add3A_173, %add3A_174 : i32
      %shift_left3A_176 = arith.shli %add3A_175, %shift_left3A_163 : i32
      %or3A_177 = arith.ori %and3A_171, %shift_left3A_176 : i32
      %swap3A_178 = arith.index_cast %shift_right_logical3A_159 : i32 to index
      %swap3A_179 = memref.load %arg8[%swap3A_178] : memref<1024xi32, #tpu.memory_space<smem>>
      memref.store %or3A_177, %arg8[%swap3A_178] : memref<1024xi32, #tpu.memory_space<smem>>
      %slice3A_180 = vector.extract_strided_slice %get3A_45 {offsets = [4], sizes = [1], strides = [1]} : vector<16xi32> to vector<1xi32>
      %squeeze3A_181 = vector.extract %slice3A_180[0] : i32 from vector<1xi32>
      %add3A_182 = arith.addi %squeeze3A_181, %sub3A : i32
      %ge3A_183 = arith.constant 0 : i32
      %ge3A_184 = arith.cmpi sge, %add3A_182, %ge3A_183 : i32
      %lt3A_185 = arith.constant 512 : i32
      %lt3A_186 = arith.cmpi slt, %add3A_182, %lt3A_185 : i32
      %and3A_187 = arith.andi %ge3A_184, %lt3A_186 : i1
      %ne3A_188 = arith.constant 0 : i32
      %ne3A_189 = arith.cmpi ne, %squeeze3A_181, %ne3A_188 : i32
      %and3A_190 = arith.andi %and3A_187, %ne3A_189 : i1
      %select_n3A_191 = arith.constant 513 : i32
      %select_n3A_192 = arith.select %and3A_190, %add3A_182, %select_n3A_191 : i32
      %shift_right_logical3A_193 = arith.constant 1 : i32
      %shift_right_logical3A_194 = arith.shrui %select_n3A_192, %shift_right_logical3A_193 : i32
      %and3A_195 = arith.constant 1 : i32
      %and3A_196 = arith.andi %select_n3A_192, %and3A_195 : i32
      %shift_left3A_197 = arith.constant 4 : i32
      %shift_left3A_198 = arith.shli %and3A_196, %shift_left3A_197 : i32
      %eq3A_199 = arith.constant 1 : i32
      %eq3A_200 = arith.cmpi eq, %and3A_196, %eq3A_199 : i32
      %select_n3A_201 = arith.constant -65536 : i32
      %select_n3A_202 = arith.constant 65535 : i32
      %select_n3A_203 = arith.select %eq3A_200, %select_n3A_202, %select_n3A_201 : i32
      %get3A_204 = arith.index_cast %shift_right_logical3A_194 : i32 to index
      %get3A_205 = memref.load %arg8[%get3A_204] : memref<1024xi32, #tpu.memory_space<smem>>
      %and3A_206 = arith.andi %get3A_205, %select_n3A_203 : i32
      %add3A_207 = arith.constant 4 : i32
      %add3A_208 = arith.addi %mul3A_49, %add3A_207 : i32
      %add3A_209 = arith.constant 1 : i32
      %add3A_210 = arith.addi %add3A_208, %add3A_209 : i32
      %shift_left3A_211 = arith.shli %add3A_210, %shift_left3A_198 : i32
      %or3A_212 = arith.ori %and3A_206, %shift_left3A_211 : i32
      %swap3A_213 = arith.index_cast %shift_right_logical3A_194 : i32 to index
      %swap3A_214 = memref.load %arg8[%swap3A_213] : memref<1024xi32, #tpu.memory_space<smem>>
      memref.store %or3A_212, %arg8[%swap3A_213] : memref<1024xi32, #tpu.memory_space<smem>>
      %slice3A_215 = vector.extract_strided_slice %get3A_45 {offsets = [5], sizes = [1], strides = [1]} : vector<16xi32> to vector<1xi32>
      %squeeze3A_216 = vector.extract %slice3A_215[0] : i32 from vector<1xi32>
      %add3A_217 = arith.addi %squeeze3A_216, %sub3A : i32
      %ge3A_218 = arith.constant 0 : i32
      %ge3A_219 = arith.cmpi sge, %add3A_217, %ge3A_218 : i32
      %lt3A_220 = arith.constant 512 : i32
      %lt3A_221 = arith.cmpi slt, %add3A_217, %lt3A_220 : i32
      %and3A_222 = arith.andi %ge3A_219, %lt3A_221 : i1
      %ne3A_223 = arith.constant 0 : i32
      %ne3A_224 = arith.cmpi ne, %squeeze3A_216, %ne3A_223 : i32
      %and3A_225 = arith.andi %and3A_222, %ne3A_224 : i1
      %select_n3A_226 = arith.constant 513 : i32
      %select_n3A_227 = arith.select %and3A_225, %add3A_217, %select_n3A_226 : i32
      %shift_right_logical3A_228 = arith.constant 1 : i32
      %shift_right_logical3A_229 = arith.shrui %select_n3A_227, %shift_right_logical3A_228 : i32
      %and3A_230 = arith.constant 1 : i32
      %and3A_231 = arith.andi %select_n3A_227, %and3A_230 : i32
      %shift_left3A_232 = arith.constant 4 : i32
      %shift_left3A_233 = arith.shli %and3A_231, %shift_left3A_232 : i32
      %eq3A_234 = arith.constant 1 : i32
      %eq3A_235 = arith.cmpi eq, %and3A_231, %eq3A_234 : i32
      %select_n3A_236 = arith.constant -65536 : i32
      %select_n3A_237 = arith.constant 65535 : i32
      %select_n3A_238 = arith.select %eq3A_235, %select_n3A_237, %select_n3A_236 : i32
      %get3A_239 = arith.index_cast %shift_right_logical3A_229 : i32 to index
      %get3A_240 = memref.load %arg8[%get3A_239] : memref<1024xi32, #tpu.memory_space<smem>>
      %and3A_241 = arith.andi %get3A_240, %select_n3A_238 : i32
      %add3A_242 = arith.constant 5 : i32
      %add3A_243 = arith.addi %mul3A_49, %add3A_242 : i32
      %add3A_244 = arith.constant 1 : i32
      %add3A_245 = arith.addi %add3A_243, %add3A_244 : i32
      %shift_left3A_246 = arith.shli %add3A_245, %shift_left3A_233 : i32
      %or3A_247 = arith.ori %and3A_241, %shift_left3A_246 : i32
      %swap3A_248 = arith.index_cast %shift_right_logical3A_229 : i32 to index
      %swap3A_249 = memref.load %arg8[%swap3A_248] : memref<1024xi32, #tpu.memory_space<smem>>
      memref.store %or3A_247, %arg8[%swap3A_248] : memref<1024xi32, #tpu.memory_space<smem>>
      %slice3A_250 = vector.extract_strided_slice %get3A_45 {offsets = [6], sizes = [1], strides = [1]} : vector<16xi32> to vector<1xi32>
      %squeeze3A_251 = vector.extract %slice3A_250[0] : i32 from vector<1xi32>
      %add3A_252 = arith.addi %squeeze3A_251, %sub3A : i32
      %ge3A_253 = arith.constant 0 : i32
      %ge3A_254 = arith.cmpi sge, %add3A_252, %ge3A_253 : i32
      %lt3A_255 = arith.constant 512 : i32
      %lt3A_256 = arith.cmpi slt, %add3A_252, %lt3A_255 : i32
      %and3A_257 = arith.andi %ge3A_254, %lt3A_256 : i1
      %ne3A_258 = arith.constant 0 : i32
      %ne3A_259 = arith.cmpi ne, %squeeze3A_251, %ne3A_258 : i32
      %and3A_260 = arith.andi %and3A_257, %ne3A_259 : i1
      %select_n3A_261 = arith.constant 513 : i32
      %select_n3A_262 = arith.select %and3A_260, %add3A_252, %select_n3A_261 : i32
      %shift_right_logical3A_263 = arith.constant 1 : i32
      %shift_right_logical3A_264 = arith.shrui %select_n3A_262, %shift_right_logical3A_263 : i32
      %and3A_265 = arith.constant 1 : i32
      %and3A_266 = arith.andi %select_n3A_262, %and3A_265 : i32
      %shift_left3A_267 = arith.constant 4 : i32
      %shift_left3A_268 = arith.shli %and3A_266, %shift_left3A_267 : i32
      %eq3A_269 = arith.constant 1 : i32
      %eq3A_270 = arith.cmpi eq, %and3A_266, %eq3A_269 : i32
      %select_n3A_271 = arith.constant -65536 : i32
      %select_n3A_272 = arith.constant 65535 : i32
      %select_n3A_273 = arith.select %eq3A_270, %select_n3A_272, %select_n3A_271 : i32
      %get3A_274 = arith.index_cast %shift_right_logical3A_264 : i32 to index
      %get3A_275 = memref.load %arg8[%get3A_274] : memref<1024xi32, #tpu.memory_space<smem>>
      %and3A_276 = arith.andi %get3A_275, %select_n3A_273 : i32
      %add3A_277 = arith.constant 6 : i32
      %add3A_278 = arith.addi %mul3A_49, %add3A_277 : i32
      %add3A_279 = arith.constant 1 : i32
      %add3A_280 = arith.addi %add3A_278, %add3A_279 : i32
      %shift_left3A_281 = arith.shli %add3A_280, %shift_left3A_268 : i32
      %or3A_282 = arith.ori %and3A_276, %shift_left3A_281 : i32
      %swap3A_283 = arith.index_cast %shift_right_logical3A_264 : i32 to index
      %swap3A_284 = memref.load %arg8[%swap3A_283] : memref<1024xi32, #tpu.memory_space<smem>>
      memref.store %or3A_282, %arg8[%swap3A_283] : memref<1024xi32, #tpu.memory_space<smem>>
      %slice3A_285 = vector.extract_strided_slice %get3A_45 {offsets = [7], sizes = [1], strides = [1]} : vector<16xi32> to vector<1xi32>
      %squeeze3A_286 = vector.extract %slice3A_285[0] : i32 from vector<1xi32>
      %add3A_287 = arith.addi %squeeze3A_286, %sub3A : i32
      %ge3A_288 = arith.constant 0 : i32
      %ge3A_289 = arith.cmpi sge, %add3A_287, %ge3A_288 : i32
      %lt3A_290 = arith.constant 512 : i32
      %lt3A_291 = arith.cmpi slt, %add3A_287, %lt3A_290 : i32
      %and3A_292 = arith.andi %ge3A_289, %lt3A_291 : i1
      %ne3A_293 = arith.constant 0 : i32
      %ne3A_294 = arith.cmpi ne, %squeeze3A_286, %ne3A_293 : i32
      %and3A_295 = arith.andi %and3A_292, %ne3A_294 : i1
      %select_n3A_296 = arith.constant 513 : i32
      %select_n3A_297 = arith.select %and3A_295, %add3A_287, %select_n3A_296 : i32
      %shift_right_logical3A_298 = arith.constant 1 : i32
      %shift_right_logical3A_299 = arith.shrui %select_n3A_297, %shift_right_logical3A_298 : i32
      %and3A_300 = arith.constant 1 : i32
      %and3A_301 = arith.andi %select_n3A_297, %and3A_300 : i32
      %shift_left3A_302 = arith.constant 4 : i32
      %shift_left3A_303 = arith.shli %and3A_301, %shift_left3A_302 : i32
      %eq3A_304 = arith.constant 1 : i32
      %eq3A_305 = arith.cmpi eq, %and3A_301, %eq3A_304 : i32
      %select_n3A_306 = arith.constant -65536 : i32
      %select_n3A_307 = arith.constant 65535 : i32
      %select_n3A_308 = arith.select %eq3A_305, %select_n3A_307, %select_n3A_306 : i32
      %get3A_309 = arith.index_cast %shift_right_logical3A_299 : i32 to index
      %get3A_310 = memref.load %arg8[%get3A_309] : memref<1024xi32, #tpu.memory_space<smem>>
      %and3A_311 = arith.andi %get3A_310, %select_n3A_308 : i32
      %add3A_312 = arith.constant 7 : i32
      %add3A_313 = arith.addi %mul3A_49, %add3A_312 : i32
      %add3A_314 = arith.constant 1 : i32
      %add3A_315 = arith.addi %add3A_313, %add3A_314 : i32
      %shift_left3A_316 = arith.shli %add3A_315, %shift_left3A_303 : i32
      %or3A_317 = arith.ori %and3A_311, %shift_left3A_316 : i32
      %swap3A_318 = arith.index_cast %shift_right_logical3A_299 : i32 to index
      %swap3A_319 = memref.load %arg8[%swap3A_318] : memref<1024xi32, #tpu.memory_space<smem>>
      memref.store %or3A_317, %arg8[%swap3A_318] : memref<1024xi32, #tpu.memory_space<smem>>
      %slice3A_320 = vector.extract_strided_slice %get3A_45 {offsets = [8], sizes = [1], strides = [1]} : vector<16xi32> to vector<1xi32>
      %squeeze3A_321 = vector.extract %slice3A_320[0] : i32 from vector<1xi32>
      %add3A_322 = arith.addi %squeeze3A_321, %sub3A : i32
      %ge3A_323 = arith.constant 0 : i32
      %ge3A_324 = arith.cmpi sge, %add3A_322, %ge3A_323 : i32
      %lt3A_325 = arith.constant 512 : i32
      %lt3A_326 = arith.cmpi slt, %add3A_322, %lt3A_325 : i32
      %and3A_327 = arith.andi %ge3A_324, %lt3A_326 : i1
      %ne3A_328 = arith.constant 0 : i32
      %ne3A_329 = arith.cmpi ne, %squeeze3A_321, %ne3A_328 : i32
      %and3A_330 = arith.andi %and3A_327, %ne3A_329 : i1
      %select_n3A_331 = arith.constant 513 : i32
      %select_n3A_332 = arith.select %and3A_330, %add3A_322, %select_n3A_331 : i32
      %shift_right_logical3A_333 = arith.constant 1 : i32
      %shift_right_logical3A_334 = arith.shrui %select_n3A_332, %shift_right_logical3A_333 : i32
      %and3A_335 = arith.constant 1 : i32
      %and3A_336 = arith.andi %select_n3A_332, %and3A_335 : i32
      %shift_left3A_337 = arith.constant 4 : i32
      %shift_left3A_338 = arith.shli %and3A_336, %shift_left3A_337 : i32
      %eq3A_339 = arith.constant 1 : i32
      %eq3A_340 = arith.cmpi eq, %and3A_336, %eq3A_339 : i32
      %select_n3A_341 = arith.constant -65536 : i32
      %select_n3A_342 = arith.constant 65535 : i32
      %select_n3A_343 = arith.select %eq3A_340, %select_n3A_342, %select_n3A_341 : i32
      %get3A_344 = arith.index_cast %shift_right_logical3A_334 : i32 to index
      %get3A_345 = memref.load %arg8[%get3A_344] : memref<1024xi32, #tpu.memory_space<smem>>
      %and3A_346 = arith.andi %get3A_345, %select_n3A_343 : i32
      %add3A_347 = arith.constant 8 : i32
      %add3A_348 = arith.addi %mul3A_49, %add3A_347 : i32
      %add3A_349 = arith.constant 1 : i32
      %add3A_350 = arith.addi %add3A_348, %add3A_349 : i32
      %shift_left3A_351 = arith.shli %add3A_350, %shift_left3A_338 : i32
      %or3A_352 = arith.ori %and3A_346, %shift_left3A_351 : i32
      %swap3A_353 = arith.index_cast %shift_right_logical3A_334 : i32 to index
      %swap3A_354 = memref.load %arg8[%swap3A_353] : memref<1024xi32, #tpu.memory_space<smem>>
      memref.store %or3A_352, %arg8[%swap3A_353] : memref<1024xi32, #tpu.memory_space<smem>>
      %slice3A_355 = vector.extract_strided_slice %get3A_45 {offsets = [9], sizes = [1], strides = [1]} : vector<16xi32> to vector<1xi32>
      %squeeze3A_356 = vector.extract %slice3A_355[0] : i32 from vector<1xi32>
      %add3A_357 = arith.addi %squeeze3A_356, %sub3A : i32
      %ge3A_358 = arith.constant 0 : i32
      %ge3A_359 = arith.cmpi sge, %add3A_357, %ge3A_358 : i32
      %lt3A_360 = arith.constant 512 : i32
      %lt3A_361 = arith.cmpi slt, %add3A_357, %lt3A_360 : i32
      %and3A_362 = arith.andi %ge3A_359, %lt3A_361 : i1
      %ne3A_363 = arith.constant 0 : i32
      %ne3A_364 = arith.cmpi ne, %squeeze3A_356, %ne3A_363 : i32
      %and3A_365 = arith.andi %and3A_362, %ne3A_364 : i1
      %select_n3A_366 = arith.constant 513 : i32
      %select_n3A_367 = arith.select %and3A_365, %add3A_357, %select_n3A_366 : i32
      %shift_right_logical3A_368 = arith.constant 1 : i32
      %shift_right_logical3A_369 = arith.shrui %select_n3A_367, %shift_right_logical3A_368 : i32
      %and3A_370 = arith.constant 1 : i32
      %and3A_371 = arith.andi %select_n3A_367, %and3A_370 : i32
      %shift_left3A_372 = arith.constant 4 : i32
      %shift_left3A_373 = arith.shli %and3A_371, %shift_left3A_372 : i32
      %eq3A_374 = arith.constant 1 : i32
      %eq3A_375 = arith.cmpi eq, %and3A_371, %eq3A_374 : i32
      %select_n3A_376 = arith.constant -65536 : i32
      %select_n3A_377 = arith.constant 65535 : i32
      %select_n3A_378 = arith.select %eq3A_375, %select_n3A_377, %select_n3A_376 : i32
      %get3A_379 = arith.index_cast %shift_right_logical3A_369 : i32 to index
      %get3A_380 = memref.load %arg8[%get3A_379] : memref<1024xi32, #tpu.memory_space<smem>>
      %and3A_381 = arith.andi %get3A_380, %select_n3A_378 : i32
      %add3A_382 = arith.constant 9 : i32
      %add3A_383 = arith.addi %mul3A_49, %add3A_382 : i32
      %add3A_384 = arith.constant 1 : i32
      %add3A_385 = arith.addi %add3A_383, %add3A_384 : i32
      %shift_left3A_386 = arith.shli %add3A_385, %shift_left3A_373 : i32
      %or3A_387 = arith.ori %and3A_381, %shift_left3A_386 : i32
      %swap3A_388 = arith.index_cast %shift_right_logical3A_369 : i32 to index
      %swap3A_389 = memref.load %arg8[%swap3A_388] : memref<1024xi32, #tpu.memory_space<smem>>
      memref.store %or3A_387, %arg8[%swap3A_388] : memref<1024xi32, #tpu.memory_space<smem>>
      %slice3A_390 = vector.extract_strided_slice %get3A_45 {offsets = [10], sizes = [1], strides = [1]} : vector<16xi32> to vector<1xi32>
      %squeeze3A_391 = vector.extract %slice3A_390[0] : i32 from vector<1xi32>
      %add3A_392 = arith.addi %squeeze3A_391, %sub3A : i32
      %ge3A_393 = arith.constant 0 : i32
      %ge3A_394 = arith.cmpi sge, %add3A_392, %ge3A_393 : i32
      %lt3A_395 = arith.constant 512 : i32
      %lt3A_396 = arith.cmpi slt, %add3A_392, %lt3A_395 : i32
      %and3A_397 = arith.andi %ge3A_394, %lt3A_396 : i1
      %ne3A_398 = arith.constant 0 : i32
      %ne3A_399 = arith.cmpi ne, %squeeze3A_391, %ne3A_398 : i32
      %and3A_400 = arith.andi %and3A_397, %ne3A_399 : i1
      %select_n3A_401 = arith.constant 513 : i32
      %select_n3A_402 = arith.select %and3A_400, %add3A_392, %select_n3A_401 : i32
      %shift_right_logical3A_403 = arith.constant 1 : i32
      %shift_right_logical3A_404 = arith.shrui %select_n3A_402, %shift_right_logical3A_403 : i32
      %and3A_405 = arith.constant 1 : i32
      %and3A_406 = arith.andi %select_n3A_402, %and3A_405 : i32
      %shift_left3A_407 = arith.constant 4 : i32
      %shift_left3A_408 = arith.shli %and3A_406, %shift_left3A_407 : i32
      %eq3A_409 = arith.constant 1 : i32
      %eq3A_410 = arith.cmpi eq, %and3A_406, %eq3A_409 : i32
      %select_n3A_411 = arith.constant -65536 : i32
      %select_n3A_412 = arith.constant 65535 : i32
      %select_n3A_413 = arith.select %eq3A_410, %select_n3A_412, %select_n3A_411 : i32
      %get3A_414 = arith.index_cast %shift_right_logical3A_404 : i32 to index
      %get3A_415 = memref.load %arg8[%get3A_414] : memref<1024xi32, #tpu.memory_space<smem>>
      %and3A_416 = arith.andi %get3A_415, %select_n3A_413 : i32
      %add3A_417 = arith.constant 10 : i32
      %add3A_418 = arith.addi %mul3A_49, %add3A_417 : i32
      %add3A_419 = arith.constant 1 : i32
      %add3A_420 = arith.addi %add3A_418, %add3A_419 : i32
      %shift_left3A_421 = arith.shli %add3A_420, %shift_left3A_408 : i32
      %or3A_422 = arith.ori %and3A_416, %shift_left3A_421 : i32
      %swap3A_423 = arith.index_cast %shift_right_logical3A_404 : i32 to index
      %swap3A_424 = memref.load %arg8[%swap3A_423] : memref<1024xi32, #tpu.memory_space<smem>>
      memref.store %or3A_422, %arg8[%swap3A_423] : memref<1024xi32, #tpu.memory_space<smem>>
      %slice3A_425 = vector.extract_strided_slice %get3A_45 {offsets = [11], sizes = [1], strides = [1]} : vector<16xi32> to vector<1xi32>
      %squeeze3A_426 = vector.extract %slice3A_425[0] : i32 from vector<1xi32>
      %add3A_427 = arith.addi %squeeze3A_426, %sub3A : i32
      %ge3A_428 = arith.constant 0 : i32
      %ge3A_429 = arith.cmpi sge, %add3A_427, %ge3A_428 : i32
      %lt3A_430 = arith.constant 512 : i32
      %lt3A_431 = arith.cmpi slt, %add3A_427, %lt3A_430 : i32
      %and3A_432 = arith.andi %ge3A_429, %lt3A_431 : i1
      %ne3A_433 = arith.constant 0 : i32
      %ne3A_434 = arith.cmpi ne, %squeeze3A_426, %ne3A_433 : i32
      %and3A_435 = arith.andi %and3A_432, %ne3A_434 : i1
      %select_n3A_436 = arith.constant 513 : i32
      %select_n3A_437 = arith.select %and3A_435, %add3A_427, %select_n3A_436 : i32
      %shift_right_logical3A_438 = arith.constant 1 : i32
      %shift_right_logical3A_439 = arith.shrui %select_n3A_437, %shift_right_logical3A_438 : i32
      %and3A_440 = arith.constant 1 : i32
      %and3A_441 = arith.andi %select_n3A_437, %and3A_440 : i32
      %shift_left3A_442 = arith.constant 4 : i32
      %shift_left3A_443 = arith.shli %and3A_441, %shift_left3A_442 : i32
      %eq3A_444 = arith.constant 1 : i32
      %eq3A_445 = arith.cmpi eq, %and3A_441, %eq3A_444 : i32
      %select_n3A_446 = arith.constant -65536 : i32
      %select_n3A_447 = arith.constant 65535 : i32
      %select_n3A_448 = arith.select %eq3A_445, %select_n3A_447, %select_n3A_446 : i32
      %get3A_449 = arith.index_cast %shift_right_logical3A_439 : i32 to index
      %get3A_450 = memref.load %arg8[%get3A_449] : memref<1024xi32, #tpu.memory_space<smem>>
      %and3A_451 = arith.andi %get3A_450, %select_n3A_448 : i32
      %add3A_452 = arith.constant 11 : i32
      %add3A_453 = arith.addi %mul3A_49, %add3A_452 : i32
      %add3A_454 = arith.constant 1 : i32
      %add3A_455 = arith.addi %add3A_453, %add3A_454 : i32
      %shift_left3A_456 = arith.shli %add3A_455, %shift_left3A_443 : i32
      %or3A_457 = arith.ori %and3A_451, %shift_left3A_456 : i32
      %swap3A_458 = arith.index_cast %shift_right_logical3A_439 : i32 to index
      %swap3A_459 = memref.load %arg8[%swap3A_458] : memref<1024xi32, #tpu.memory_space<smem>>
      memref.store %or3A_457, %arg8[%swap3A_458] : memref<1024xi32, #tpu.memory_space<smem>>
      %slice3A_460 = vector.extract_strided_slice %get3A_45 {offsets = [12], sizes = [1], strides = [1]} : vector<16xi32> to vector<1xi32>
      %squeeze3A_461 = vector.extract %slice3A_460[0] : i32 from vector<1xi32>
      %add3A_462 = arith.addi %squeeze3A_461, %sub3A : i32
      %ge3A_463 = arith.constant 0 : i32
      %ge3A_464 = arith.cmpi sge, %add3A_462, %ge3A_463 : i32
      %lt3A_465 = arith.constant 512 : i32
      %lt3A_466 = arith.cmpi slt, %add3A_462, %lt3A_465 : i32
      %and3A_467 = arith.andi %ge3A_464, %lt3A_466 : i1
      %ne3A_468 = arith.constant 0 : i32
      %ne3A_469 = arith.cmpi ne, %squeeze3A_461, %ne3A_468 : i32
      %and3A_470 = arith.andi %and3A_467, %ne3A_469 : i1
      %select_n3A_471 = arith.constant 513 : i32
      %select_n3A_472 = arith.select %and3A_470, %add3A_462, %select_n3A_471 : i32
      %shift_right_logical3A_473 = arith.constant 1 : i32
      %shift_right_logical3A_474 = arith.shrui %select_n3A_472, %shift_right_logical3A_473 : i32
      %and3A_475 = arith.constant 1 : i32
      %and3A_476 = arith.andi %select_n3A_472, %and3A_475 : i32
      %shift_left3A_477 = arith.constant 4 : i32
      %shift_left3A_478 = arith.shli %and3A_476, %shift_left3A_477 : i32
      %eq3A_479 = arith.constant 1 : i32
      %eq3A_480 = arith.cmpi eq, %and3A_476, %eq3A_479 : i32
      %select_n3A_481 = arith.constant -65536 : i32
      %select_n3A_482 = arith.constant 65535 : i32
      %select_n3A_483 = arith.select %eq3A_480, %select_n3A_482, %select_n3A_481 : i32
      %get3A_484 = arith.index_cast %shift_right_logical3A_474 : i32 to index
      %get3A_485 = memref.load %arg8[%get3A_484] : memref<1024xi32, #tpu.memory_space<smem>>
      %and3A_486 = arith.andi %get3A_485, %select_n3A_483 : i32
      %add3A_487 = arith.constant 12 : i32
      %add3A_488 = arith.addi %mul3A_49, %add3A_487 : i32
      %add3A_489 = arith.constant 1 : i32
      %add3A_490 = arith.addi %add3A_488, %add3A_489 : i32
      %shift_left3A_491 = arith.shli %add3A_490, %shift_left3A_478 : i32
      %or3A_492 = arith.ori %and3A_486, %shift_left3A_491 : i32
      %swap3A_493 = arith.index_cast %shift_right_logical3A_474 : i32 to index
      %swap3A_494 = memref.load %arg8[%swap3A_493] : memref<1024xi32, #tpu.memory_space<smem>>
      memref.store %or3A_492, %arg8[%swap3A_493] : memref<1024xi32, #tpu.memory_space<smem>>
      %slice3A_495 = vector.extract_strided_slice %get3A_45 {offsets = [13], sizes = [1], strides = [1]} : vector<16xi32> to vector<1xi32>
      %squeeze3A_496 = vector.extract %slice3A_495[0] : i32 from vector<1xi32>
      %add3A_497 = arith.addi %squeeze3A_496, %sub3A : i32
      %ge3A_498 = arith.constant 0 : i32
      %ge3A_499 = arith.cmpi sge, %add3A_497, %ge3A_498 : i32
      %lt3A_500 = arith.constant 512 : i32
      %lt3A_501 = arith.cmpi slt, %add3A_497, %lt3A_500 : i32
      %and3A_502 = arith.andi %ge3A_499, %lt3A_501 : i1
      %ne3A_503 = arith.constant 0 : i32
      %ne3A_504 = arith.cmpi ne, %squeeze3A_496, %ne3A_503 : i32
      %and3A_505 = arith.andi %and3A_502, %ne3A_504 : i1
      %select_n3A_506 = arith.constant 513 : i32
      %select_n3A_507 = arith.select %and3A_505, %add3A_497, %select_n3A_506 : i32
      %shift_right_logical3A_508 = arith.constant 1 : i32
      %shift_right_logical3A_509 = arith.shrui %select_n3A_507, %shift_right_logical3A_508 : i32
      %and3A_510 = arith.constant 1 : i32
      %and3A_511 = arith.andi %select_n3A_507, %and3A_510 : i32
      %shift_left3A_512 = arith.constant 4 : i32
      %shift_left3A_513 = arith.shli %and3A_511, %shift_left3A_512 : i32
      %eq3A_514 = arith.constant 1 : i32
      %eq3A_515 = arith.cmpi eq, %and3A_511, %eq3A_514 : i32
      %select_n3A_516 = arith.constant -65536 : i32
      %select_n3A_517 = arith.constant 65535 : i32
      %select_n3A_518 = arith.select %eq3A_515, %select_n3A_517, %select_n3A_516 : i32
      %get3A_519 = arith.index_cast %shift_right_logical3A_509 : i32 to index
      %get3A_520 = memref.load %arg8[%get3A_519] : memref<1024xi32, #tpu.memory_space<smem>>
      %and3A_521 = arith.andi %get3A_520, %select_n3A_518 : i32
      %add3A_522 = arith.constant 13 : i32
      %add3A_523 = arith.addi %mul3A_49, %add3A_522 : i32
      %add3A_524 = arith.constant 1 : i32
      %add3A_525 = arith.addi %add3A_523, %add3A_524 : i32
      %shift_left3A_526 = arith.shli %add3A_525, %shift_left3A_513 : i32
      %or3A_527 = arith.ori %and3A_521, %shift_left3A_526 : i32
      %swap3A_528 = arith.index_cast %shift_right_logical3A_509 : i32 to index
      %swap3A_529 = memref.load %arg8[%swap3A_528] : memref<1024xi32, #tpu.memory_space<smem>>
      memref.store %or3A_527, %arg8[%swap3A_528] : memref<1024xi32, #tpu.memory_space<smem>>
      %slice3A_530 = vector.extract_strided_slice %get3A_45 {offsets = [14], sizes = [1], strides = [1]} : vector<16xi32> to vector<1xi32>
      %squeeze3A_531 = vector.extract %slice3A_530[0] : i32 from vector<1xi32>
      %add3A_532 = arith.addi %squeeze3A_531, %sub3A : i32
      %ge3A_533 = arith.constant 0 : i32
      %ge3A_534 = arith.cmpi sge, %add3A_532, %ge3A_533 : i32
      %lt3A_535 = arith.constant 512 : i32
      %lt3A_536 = arith.cmpi slt, %add3A_532, %lt3A_535 : i32
      %and3A_537 = arith.andi %ge3A_534, %lt3A_536 : i1
      %ne3A_538 = arith.constant 0 : i32
      %ne3A_539 = arith.cmpi ne, %squeeze3A_531, %ne3A_538 : i32
      %and3A_540 = arith.andi %and3A_537, %ne3A_539 : i1
      %select_n3A_541 = arith.constant 513 : i32
      %select_n3A_542 = arith.select %and3A_540, %add3A_532, %select_n3A_541 : i32
      %shift_right_logical3A_543 = arith.constant 1 : i32
      %shift_right_logical3A_544 = arith.shrui %select_n3A_542, %shift_right_logical3A_543 : i32
      %and3A_545 = arith.constant 1 : i32
      %and3A_546 = arith.andi %select_n3A_542, %and3A_545 : i32
      %shift_left3A_547 = arith.constant 4 : i32
      %shift_left3A_548 = arith.shli %and3A_546, %shift_left3A_547 : i32
      %eq3A_549 = arith.constant 1 : i32
      %eq3A_550 = arith.cmpi eq, %and3A_546, %eq3A_549 : i32
      %select_n3A_551 = arith.constant -65536 : i32
      %select_n3A_552 = arith.constant 65535 : i32
      %select_n3A_553 = arith.select %eq3A_550, %select_n3A_552, %select_n3A_551 : i32
      %get3A_554 = arith.index_cast %shift_right_logical3A_544 : i32 to index
      %get3A_555 = memref.load %arg8[%get3A_554] : memref<1024xi32, #tpu.memory_space<smem>>
      %and3A_556 = arith.andi %get3A_555, %select_n3A_553 : i32
      %add3A_557 = arith.constant 14 : i32
      %add3A_558 = arith.addi %mul3A_49, %add3A_557 : i32
      %add3A_559 = arith.constant 1 : i32
      %add3A_560 = arith.addi %add3A_558, %add3A_559 : i32
      %shift_left3A_561 = arith.shli %add3A_560, %shift_left3A_548 : i32
      %or3A_562 = arith.ori %and3A_556, %shift_left3A_561 : i32
      %swap3A_563 = arith.index_cast %shift_right_logical3A_544 : i32 to index
      %swap3A_564 = memref.load %arg8[%swap3A_563] : memref<1024xi32, #tpu.memory_space<smem>>
      memref.store %or3A_562, %arg8[%swap3A_563] : memref<1024xi32, #tpu.memory_space<smem>>
      %slice3A_565 = vector.extract_strided_slice %get3A_45 {offsets = [15], sizes = [1], strides = [1]} : vector<16xi32> to vector<1xi32>
      %squeeze3A_566 = vector.extract %slice3A_565[0] : i32 from vector<1xi32>
      %add3A_567 = arith.addi %squeeze3A_566, %sub3A : i32
      %ge3A_568 = arith.constant 0 : i32
      %ge3A_569 = arith.cmpi sge, %add3A_567, %ge3A_568 : i32
      %lt3A_570 = arith.constant 512 : i32
      %lt3A_571 = arith.cmpi slt, %add3A_567, %lt3A_570 : i32
      %and3A_572 = arith.andi %ge3A_569, %lt3A_571 : i1
      %ne3A_573 = arith.constant 0 : i32
      %ne3A_574 = arith.cmpi ne, %squeeze3A_566, %ne3A_573 : i32
      %and3A_575 = arith.andi %and3A_572, %ne3A_574 : i1
      %select_n3A_576 = arith.constant 513 : i32
      %select_n3A_577 = arith.select %and3A_575, %add3A_567, %select_n3A_576 : i32
      %shift_right_logical3A_578 = arith.constant 1 : i32
      %shift_right_logical3A_579 = arith.shrui %select_n3A_577, %shift_right_logical3A_578 : i32
      %and3A_580 = arith.constant 1 : i32
      %and3A_581 = arith.andi %select_n3A_577, %and3A_580 : i32
      %shift_left3A_582 = arith.constant 4 : i32
      %shift_left3A_583 = arith.shli %and3A_581, %shift_left3A_582 : i32
      %eq3A_584 = arith.constant 1 : i32
      %eq3A_585 = arith.cmpi eq, %and3A_581, %eq3A_584 : i32
      %select_n3A_586 = arith.constant -65536 : i32
      %select_n3A_587 = arith.constant 65535 : i32
      %select_n3A_588 = arith.select %eq3A_585, %select_n3A_587, %select_n3A_586 : i32
      %get3A_589 = arith.index_cast %shift_right_logical3A_579 : i32 to index
      %get3A_590 = memref.load %arg8[%get3A_589] : memref<1024xi32, #tpu.memory_space<smem>>
      %and3A_591 = arith.andi %get3A_590, %select_n3A_588 : i32
      %add3A_592 = arith.constant 15 : i32
      %add3A_593 = arith.addi %mul3A_49, %add3A_592 : i32
      %add3A_594 = arith.constant 1 : i32
      %add3A_595 = arith.addi %add3A_593, %add3A_594 : i32
      %shift_left3A_596 = arith.shli %add3A_595, %shift_left3A_583 : i32
      %or3A_597 = arith.ori %and3A_591, %shift_left3A_596 : i32
      %swap3A_598 = arith.index_cast %shift_right_logical3A_579 : i32 to index
      %swap3A_599 = memref.load %arg8[%swap3A_598] : memref<1024xi32, #tpu.memory_space<smem>>
      memref.store %or3A_597, %arg8[%swap3A_598] : memref<1024xi32, #tpu.memory_space<smem>>
    }
    %scan3A_16 = arith.constant 256 : i32
    %scan3A_17 = arith.constant 0 : i32
    %scan3A_18 = arith.constant 0 : i32
    %scan3A_19 = arith.constant 512 : i32
    %scan3A_20 = arith.addi %scan3A_18, %scan3A_19 : i32
    %scan3A_21 = arith.constant 1 : i32
    %scan3A_22 = scf.for %scan3A_41 = %scan3A_18 to %scan3A_20 step %scan3A_21 iter_args(%scan3A_42 = %scan3A_17) -> (i32)  : i32 {
      %shift_right_logical3A = arith.constant 1 : i32
      %shift_right_logical3A_43 = arith.shrui %scan3A_41, %shift_right_logical3A : i32
      %get3A = arith.index_cast %shift_right_logical3A_43 : i32 to index
      %get3A_44 = memref.load %arg8[%get3A] : memref<1024xi32, #tpu.memory_space<smem>>
      %and3A = arith.constant 1 : i32
      %and3A_45 = arith.andi %scan3A_41, %and3A : i32
      %shift_left3A = arith.constant 4 : i32
      %shift_left3A_46 = arith.shli %and3A_45, %shift_left3A : i32
      %shift_right_logical3A_47 = arith.shrui %get3A_44, %shift_left3A_46 : i32
      %and3A_48 = arith.constant 65535 : i32
      %and3A_49 = arith.andi %shift_right_logical3A_47, %and3A_48 : i32
      %gt3A_50 = arith.constant 0 : i32
      %gt3A_51 = arith.cmpi sgt, %and3A_49, %gt3A_50 : i32
      %and3A_52 = arith.constant 15 : i32
      %and3A_53 = arith.andi %scan3A_41, %and3A_52 : i32
      %add3A_54 = arith.constant 512 : i32
      %add3A_55 = arith.addi %add3A_54, %and3A_53 : i32
      %select_n3A = arith.select %gt3A_51, %scan3A_42, %add3A_55 : i32
      %sub3A = arith.constant 1 : i32
      %sub3A_56 = arith.subi %and3A_49, %sub3A : i32
      %shift_left3A_57 = arith.constant 9 : i32
      %shift_left3A_58 = arith.shli %sub3A_56, %shift_left3A_57 : i32
      %or3A = arith.ori %shift_left3A_58, %scan3A_41 : i32
      %add3A_59 = arith.constant 272 : i32
      %add3A_60 = arith.addi %add3A_59, %select_n3A : i32
      %swap3A = arith.index_cast %add3A_60 : i32 to index
      %swap3A_61 = memref.load %arg8[%swap3A] : memref<1024xi32, #tpu.memory_space<smem>>
      memref.store %or3A, %arg8[%swap3A] : memref<1024xi32, #tpu.memory_space<smem>>
      %select_n3A_62 = arith.constant 0 : i32
      %select_n3A_63 = arith.constant 1 : i32
      %select_n3A_64 = arith.select %gt3A_51, %select_n3A_63, %select_n3A_62 : i32
      %add3A_65 = arith.addi %scan3A_42, %select_n3A_64 : i32
      scf.yield %add3A_65 : i32
    }
    %scan3A_23 = arith.constant 512 : i32
    %gt3A = arith.constant 0 : i32
    %gt3A_24 = arith.cmpi sgt, %scan3A_22, %gt3A : i32
    %convert_element_type3A = arith.extui %gt3A_24 : i1 to i32
    %cond3A = arith.constant 0 : i32
    %cond3A_25 = arith.cmpi ne, %convert_element_type3A, %cond3A : i32
    scf.if %cond3A_25 {
      %get3A = arith.constant 272 : i32
      %get3A_41 = arith.index_cast %get3A : i32 to index
      %get3A_42 = memref.load %arg8[%get3A_41] : memref<1024xi32, #tpu.memory_space<smem>>
      %add3A_43 = arith.constant 15 : i32
      %add3A_44 = arith.addi %scan3A_22, %add3A_43 : i32
      %div3A_45 = arith.constant 16 : i32
      %div3A_46 = arith.divsi %add3A_44, %div3A_45 : i32
      %mul3A_47 = arith.constant 16 : i32
      %mul3A_48 = arith.muli %div3A_46, %mul3A_47 : i32
      %while3A_49 = arith.constant 0 : i32
      %while3A_50 = arith.subi %mul3A_48, %scan3A_22 : i32
      %while3A_51 = arith.addi %scan3A_22, %while3A_50 : i32
      %while3A_52 = arith.constant 1 : i32
      %while3A_53 = arith.divsi %while3A_50, %while3A_52 : i32
      %while3A_54 = arith.muli %while3A_53, %while3A_52 : i32
      %while3A_55 = arith.addi %scan3A_22, %while3A_54 : i32
      %while3A_56 = arith.constant 1 : i32
      scf.for %while3A_58 = %scan3A_22 to %while3A_55 step %while3A_56  : i32 {
        %add3A_59 = arith.constant 272 : i32
        %add3A_60 = arith.addi %add3A_59, %while3A_58 : i32
        %swap3A = arith.index_cast %add3A_60 : i32 to index
        %swap3A_61 = memref.load %arg8[%swap3A] : memref<1024xi32, #tpu.memory_space<smem>>
        memref.store %get3A_42, %arg8[%swap3A] : memref<1024xi32, #tpu.memory_space<smem>>
      }
      %while3A_57 = arith.constant 1 : i32
      scf.for %while3A_58 = %while3A_55 to %while3A_51 step %while3A_57  : i32 {
        %add3A_59 = arith.constant 272 : i32
        %add3A_60 = arith.addi %add3A_59, %while3A_58 : i32
        %swap3A = arith.index_cast %add3A_60 : i32 to index
        %swap3A_61 = memref.load %arg8[%swap3A] : memref<1024xi32, #tpu.memory_space<smem>>
        memref.store %get3A_42, %arg8[%swap3A] : memref<1024xi32, #tpu.memory_space<smem>>
      }
    } else {
    }
    %dma_wait3A = arith.constant 0 : i32
    %dma_wait3A_26 = tpu.memref_slice %arg5[%mul3A_2, %dma_wait3A] : memref<16384x2048xf32, #tpu.memory_space<hbm>> -> memref<512x2048xf32, #tpu.memory_space<hbm>>
    %dma_wait3A_27 = arith.constant 0 : i32
    %dma_wait3A_28 = tpu.memref_slice %arg2[%mul3A_2, %dma_wait3A_27] : memref<16384x2048xf32, #tpu.memory_space<hbm>> -> memref<512x2048xf32, #tpu.memory_space<hbm>>
    tpu.wait_dma2 semaphore(%arg9 : memref<!tpu.dma_semaphore, #tpu.memory_space<semaphore_mem>>) src(%dma_wait3A_28 : memref<512x2048xf32, #tpu.memory_space<hbm>>) dst(%dma_wait3A_26 : memref<512x2048xf32, #tpu.memory_space<hbm>>)
    %add3A_29 = arith.constant 15 : i32
    %add3A_30 = arith.addi %scan3A_22, %add3A_29 : i32
    %div3A = arith.constant 16 : i32
    %div3A_31 = arith.divsi %add3A_30, %div3A : i32
    %iota3A = tpu.iota {dimensions = array<i32: 0>} : vector<16xi32>
    %while3A = arith.constant 0 : i32
    %while3A_32 = arith.constant 0 : i32
    %while3A_33 = arith.subi %div3A_31, %while3A_32 : i32
    %while3A_34 = arith.addi %while3A_32, %while3A_33 : i32
    %while3A_35 = arith.constant 1 : i32
    %while3A_36 = arith.divsi %while3A_33, %while3A_35 : i32
    %while3A_37 = arith.muli %while3A_36, %while3A_35 : i32
    %while3A_38 = arith.addi %while3A_32, %while3A_37 : i32
    %while3A_39 = arith.constant 1 : i32
    scf.for %while3A_41 = %while3A_32 to %while3A_38 step %while3A_39  : i32 {
      %mul3A_42 = arith.constant 16 : i32
      %mul3A_43 = arith.muli %while3A_41, %mul3A_42 : i32
      %add3A_44 = arith.constant 272 : i32
      %add3A_45 = arith.addi %add3A_44, %mul3A_43 : i32
      %broadcast_in_dim3A = arith.constant 0 : i32
      %broadcast_in_dim3A_46 = vector.broadcast %broadcast_in_dim3A : i32 to vector<16xi32>
      %eq3A = arith.constant 0 : i32
      %eq3A_47 = vector.broadcast %eq3A : i32 to vector<16xi32>
      %eq3A_48 = arith.cmpi eq, %iota3A, %eq3A_47 : vector<16xi32>
      %add3A_49 = arith.constant 0 : i32
      %add3A_50 = arith.addi %add3A_45, %add3A_49 : i32
      %get3A = arith.index_cast %add3A_50 : i32 to index
      %get3A_51 = memref.load %arg8[%get3A] : memref<1024xi32, #tpu.memory_space<smem>>
      %broadcast_in_dim3A_52 = vector.broadcast %get3A_51 : i32 to vector<16xi32>
      %select_n3A = arith.select %eq3A_48, %broadcast_in_dim3A_52, %broadcast_in_dim3A_46 : vector<16xi1>, vector<16xi32>
      %eq3A_53 = arith.constant 1 : i32
      %eq3A_54 = vector.broadcast %eq3A_53 : i32 to vector<16xi32>
      %eq3A_55 = arith.cmpi eq, %iota3A, %eq3A_54 : vector<16xi32>
      %add3A_56 = arith.constant 1 : i32
      %add3A_57 = arith.addi %add3A_45, %add3A_56 : i32
      %get3A_58 = arith.index_cast %add3A_57 : i32 to index
      %get3A_59 = memref.load %arg8[%get3A_58] : memref<1024xi32, #tpu.memory_space<smem>>
      %broadcast_in_dim3A_60 = vector.broadcast %get3A_59 : i32 to vector<16xi32>
      %select_n3A_61 = arith.select %eq3A_55, %broadcast_in_dim3A_60, %select_n3A : vector<16xi1>, vector<16xi32>
      %eq3A_62 = arith.constant 2 : i32
      %eq3A_63 = vector.broadcast %eq3A_62 : i32 to vector<16xi32>
      %eq3A_64 = arith.cmpi eq, %iota3A, %eq3A_63 : vector<16xi32>
      %add3A_65 = arith.constant 2 : i32
      %add3A_66 = arith.addi %add3A_45, %add3A_65 : i32
      %get3A_67 = arith.index_cast %add3A_66 : i32 to index
      %get3A_68 = memref.load %arg8[%get3A_67] : memref<1024xi32, #tpu.memory_space<smem>>
      %broadcast_in_dim3A_69 = vector.broadcast %get3A_68 : i32 to vector<16xi32>
      %select_n3A_70 = arith.select %eq3A_64, %broadcast_in_dim3A_69, %select_n3A_61 : vector<16xi1>, vector<16xi32>
      %eq3A_71 = arith.constant 3 : i32
      %eq3A_72 = vector.broadcast %eq3A_71 : i32 to vector<16xi32>
      %eq3A_73 = arith.cmpi eq, %iota3A, %eq3A_72 : vector<16xi32>
      %add3A_74 = arith.constant 3 : i32
      %add3A_75 = arith.addi %add3A_45, %add3A_74 : i32
      %get3A_76 = arith.index_cast %add3A_75 : i32 to index
      %get3A_77 = memref.load %arg8[%get3A_76] : memref<1024xi32, #tpu.memory_space<smem>>
      %broadcast_in_dim3A_78 = vector.broadcast %get3A_77 : i32 to vector<16xi32>
      %select_n3A_79 = arith.select %eq3A_73, %broadcast_in_dim3A_78, %select_n3A_70 : vector<16xi1>, vector<16xi32>
      %eq3A_80 = arith.constant 4 : i32
      %eq3A_81 = vector.broadcast %eq3A_80 : i32 to vector<16xi32>
      %eq3A_82 = arith.cmpi eq, %iota3A, %eq3A_81 : vector<16xi32>
      %add3A_83 = arith.constant 4 : i32
      %add3A_84 = arith.addi %add3A_45, %add3A_83 : i32
      %get3A_85 = arith.index_cast %add3A_84 : i32 to index
      %get3A_86 = memref.load %arg8[%get3A_85] : memref<1024xi32, #tpu.memory_space<smem>>
      %broadcast_in_dim3A_87 = vector.broadcast %get3A_86 : i32 to vector<16xi32>
      %select_n3A_88 = arith.select %eq3A_82, %broadcast_in_dim3A_87, %select_n3A_79 : vector<16xi1>, vector<16xi32>
      %eq3A_89 = arith.constant 5 : i32
      %eq3A_90 = vector.broadcast %eq3A_89 : i32 to vector<16xi32>
      %eq3A_91 = arith.cmpi eq, %iota3A, %eq3A_90 : vector<16xi32>
      %add3A_92 = arith.constant 5 : i32
      %add3A_93 = arith.addi %add3A_45, %add3A_92 : i32
      %get3A_94 = arith.index_cast %add3A_93 : i32 to index
      %get3A_95 = memref.load %arg8[%get3A_94] : memref<1024xi32, #tpu.memory_space<smem>>
      %broadcast_in_dim3A_96 = vector.broadcast %get3A_95 : i32 to vector<16xi32>
      %select_n3A_97 = arith.select %eq3A_91, %broadcast_in_dim3A_96, %select_n3A_88 : vector<16xi1>, vector<16xi32>
      %eq3A_98 = arith.constant 6 : i32
      %eq3A_99 = vector.broadcast %eq3A_98 : i32 to vector<16xi32>
      %eq3A_100 = arith.cmpi eq, %iota3A, %eq3A_99 : vector<16xi32>
      %add3A_101 = arith.constant 6 : i32
      %add3A_102 = arith.addi %add3A_45, %add3A_101 : i32
      %get3A_103 = arith.index_cast %add3A_102 : i32 to index
      %get3A_104 = memref.load %arg8[%get3A_103] : memref<1024xi32, #tpu.memory_space<smem>>
      %broadcast_in_dim3A_105 = vector.broadcast %get3A_104 : i32 to vector<16xi32>
      %select_n3A_106 = arith.select %eq3A_100, %broadcast_in_dim3A_105, %select_n3A_97 : vector<16xi1>, vector<16xi32>
      %eq3A_107 = arith.constant 7 : i32
      %eq3A_108 = vector.broadcast %eq3A_107 : i32 to vector<16xi32>
      %eq3A_109 = arith.cmpi eq, %iota3A, %eq3A_108 : vector<16xi32>
      %add3A_110 = arith.constant 7 : i32
      %add3A_111 = arith.addi %add3A_45, %add3A_110 : i32
      %get3A_112 = arith.index_cast %add3A_111 : i32 to index
      %get3A_113 = memref.load %arg8[%get3A_112] : memref<1024xi32, #tpu.memory_space<smem>>
      %broadcast_in_dim3A_114 = vector.broadcast %get3A_113 : i32 to vector<16xi32>
      %select_n3A_115 = arith.select %eq3A_109, %broadcast_in_dim3A_114, %select_n3A_106 : vector<16xi1>, vector<16xi32>
      %eq3A_116 = arith.constant 8 : i32
      %eq3A_117 = vector.broadcast %eq3A_116 : i32 to vector<16xi32>
      %eq3A_118 = arith.cmpi eq, %iota3A, %eq3A_117 : vector<16xi32>
      %add3A_119 = arith.constant 8 : i32
      %add3A_120 = arith.addi %add3A_45, %add3A_119 : i32
      %get3A_121 = arith.index_cast %add3A_120 : i32 to index
      %get3A_122 = memref.load %arg8[%get3A_121] : memref<1024xi32, #tpu.memory_space<smem>>
      %broadcast_in_dim3A_123 = vector.broadcast %get3A_122 : i32 to vector<16xi32>
      %select_n3A_124 = arith.select %eq3A_118, %broadcast_in_dim3A_123, %select_n3A_115 : vector<16xi1>, vector<16xi32>
      %eq3A_125 = arith.constant 9 : i32
      %eq3A_126 = vector.broadcast %eq3A_125 : i32 to vector<16xi32>
      %eq3A_127 = arith.cmpi eq, %iota3A, %eq3A_126 : vector<16xi32>
      %add3A_128 = arith.constant 9 : i32
      %add3A_129 = arith.addi %add3A_45, %add3A_128 : i32
      %get3A_130 = arith.index_cast %add3A_129 : i32 to index
      %get3A_131 = memref.load %arg8[%get3A_130] : memref<1024xi32, #tpu.memory_space<smem>>
      %broadcast_in_dim3A_132 = vector.broadcast %get3A_131 : i32 to vector<16xi32>
      %select_n3A_133 = arith.select %eq3A_127, %broadcast_in_dim3A_132, %select_n3A_124 : vector<16xi1>, vector<16xi32>
      %eq3A_134 = arith.constant 10 : i32
      %eq3A_135 = vector.broadcast %eq3A_134 : i32 to vector<16xi32>
      %eq3A_136 = arith.cmpi eq, %iota3A, %eq3A_135 : vector<16xi32>
      %add3A_137 = arith.constant 10 : i32
      %add3A_138 = arith.addi %add3A_45, %add3A_137 : i32
      %get3A_139 = arith.index_cast %add3A_138 : i32 to index
      %get3A_140 = memref.load %arg8[%get3A_139] : memref<1024xi32, #tpu.memory_space<smem>>
      %broadcast_in_dim3A_141 = vector.broadcast %get3A_140 : i32 to vector<16xi32>
      %select_n3A_142 = arith.select %eq3A_136, %broadcast_in_dim3A_141, %select_n3A_133 : vector<16xi1>, vector<16xi32>
      %eq3A_143 = arith.constant 11 : i32
      %eq3A_144 = vector.broadcast %eq3A_143 : i32 to vector<16xi32>
      %eq3A_145 = arith.cmpi eq, %iota3A, %eq3A_144 : vector<16xi32>
      %add3A_146 = arith.constant 11 : i32
      %add3A_147 = arith.addi %add3A_45, %add3A_146 : i32
      %get3A_148 = arith.index_cast %add3A_147 : i32 to index
      %get3A_149 = memref.load %arg8[%get3A_148] : memref<1024xi32, #tpu.memory_space<smem>>
      %broadcast_in_dim3A_150 = vector.broadcast %get3A_149 : i32 to vector<16xi32>
      %select_n3A_151 = arith.select %eq3A_145, %broadcast_in_dim3A_150, %select_n3A_142 : vector<16xi1>, vector<16xi32>
      %eq3A_152 = arith.constant 12 : i32
      %eq3A_153 = vector.broadcast %eq3A_152 : i32 to vector<16xi32>
      %eq3A_154 = arith.cmpi eq, %iota3A, %eq3A_153 : vector<16xi32>
      %add3A_155 = arith.constant 12 : i32
      %add3A_156 = arith.addi %add3A_45, %add3A_155 : i32
      %get3A_157 = arith.index_cast %add3A_156 : i32 to index
      %get3A_158 = memref.load %arg8[%get3A_157] : memref<1024xi32, #tpu.memory_space<smem>>
      %broadcast_in_dim3A_159 = vector.broadcast %get3A_158 : i32 to vector<16xi32>
      %select_n3A_160 = arith.select %eq3A_154, %broadcast_in_dim3A_159, %select_n3A_151 : vector<16xi1>, vector<16xi32>
      %eq3A_161 = arith.constant 13 : i32
      %eq3A_162 = vector.broadcast %eq3A_161 : i32 to vector<16xi32>
      %eq3A_163 = arith.cmpi eq, %iota3A, %eq3A_162 : vector<16xi32>
      %add3A_164 = arith.constant 13 : i32
      %add3A_165 = arith.addi %add3A_45, %add3A_164 : i32
      %get3A_166 = arith.index_cast %add3A_165 : i32 to index
      %get3A_167 = memref.load %arg8[%get3A_166] : memref<1024xi32, #tpu.memory_space<smem>>
      %broadcast_in_dim3A_168 = vector.broadcast %get3A_167 : i32 to vector<16xi32>
      %select_n3A_169 = arith.select %eq3A_163, %broadcast_in_dim3A_168, %select_n3A_160 : vector<16xi1>, vector<16xi32>
      %eq3A_170 = arith.constant 14 : i32
      %eq3A_171 = vector.broadcast %eq3A_170 : i32 to vector<16xi32>
      %eq3A_172 = arith.cmpi eq, %iota3A, %eq3A_171 : vector<16xi32>
      %add3A_173 = arith.constant 14 : i32
      %add3A_174 = arith.addi %add3A_45, %add3A_173 : i32
      %get3A_175 = arith.index_cast %add3A_174 : i32 to index
      %get3A_176 = memref.load %arg8[%get3A_175] : memref<1024xi32, #tpu.memory_space<smem>>
      %broadcast_in_dim3A_177 = vector.broadcast %get3A_176 : i32 to vector<16xi32>
      %select_n3A_178 = arith.select %eq3A_172, %broadcast_in_dim3A_177, %select_n3A_169 : vector<16xi1>, vector<16xi32>
      %eq3A_179 = arith.constant 15 : i32
      %eq3A_180 = vector.broadcast %eq3A_179 : i32 to vector<16xi32>
      %eq3A_181 = arith.cmpi eq, %iota3A, %eq3A_180 : vector<16xi32>
      %add3A_182 = arith.constant 15 : i32
      %add3A_183 = arith.addi %add3A_45, %add3A_182 : i32
      %get3A_184 = arith.index_cast %add3A_183 : i32 to index
      %get3A_185 = memref.load %arg8[%get3A_184] : memref<1024xi32, #tpu.memory_space<smem>>
      %broadcast_in_dim3A_186 = vector.broadcast %get3A_185 : i32 to vector<16xi32>
      %select_n3A_187 = arith.select %eq3A_181, %broadcast_in_dim3A_186, %select_n3A_178 : vector<16xi1>, vector<16xi32>
      %shift_right_logical3A = arith.constant 9 : i32
      %shift_right_logical3A_188 = vector.broadcast %shift_right_logical3A : i32 to vector<16xi32>
      %shift_right_logical3A_189 = arith.shrui %select_n3A_187, %shift_right_logical3A_188 : vector<16xi32>
      %and3A = arith.constant 511 : i32
      %and3A_190 = vector.broadcast %and3A : i32 to vector<16xi32>
      %and3A_191 = arith.andi %select_n3A_187, %and3A_190 : vector<16xi32>
      %add3A_192 = vector.broadcast %mul3A_2 : i32 to vector<16xi32>
      %add3A_193 = arith.addi %and3A_191, %add3A_192 : vector<16xi32>
      %dma_start3A_194 = arith.constant 0 : i32
      %dma_start3A_195 = arith.constant 0 : i32
      %dma_start3A_196 = tpu.memref_slice %arg3[%dma_start3A_194, %dma_start3A_195] : memref<4096x2048xf32, #tpu.memory_space<hbm>> -> memref<4096x2048xf32, #tpu.memory_space<hbm>>
      tpu.enqueue_indirect_dma source(%dma_start3A_196 : memref<4096x2048xf32, #tpu.memory_space<hbm>>) target(%arg7 : memref<16x2048xf32, #tpu.memory_space<vmem>>) offsets(%shift_right_logical3A_189 : vector<16xi32>) semaphore(%arg10 : memref<!tpu.dma_semaphore, #tpu.memory_space<semaphore_mem>>)
      %dma_wait3A_197 = arith.constant 0 : i32
      %dma_wait3A_198 = arith.constant 0 : i32
      %dma_wait3A_199 = tpu.memref_slice %arg3[%dma_wait3A_197, %dma_wait3A_198] : memref<4096x2048xf32, #tpu.memory_space<hbm>> -> memref<4096x2048xf32, #tpu.memory_space<hbm>>
      tpu.wait_indirect_dma semaphore(%arg10 : memref<!tpu.dma_semaphore, #tpu.memory_space<semaphore_mem>>) src(%dma_wait3A_199 : memref<4096x2048xf32, #tpu.memory_space<hbm>>) dst(%arg7 : memref<16x2048xf32, #tpu.memory_space<vmem>>)
      "tpu.region"() ({
        %run_scoped3A = tpu.sem_alloc : memref<!tpu.dma_semaphore, #tpu.memory_space<semaphore_mem>>
        %dma_start3A_200 = arith.constant 0 : i32
        %dma_start3A_201 = arith.constant 0 : i32
        %dma_start3A_202 = tpu.memref_slice %arg5[%dma_start3A_200, %dma_start3A_201] : memref<16384x2048xf32, #tpu.memory_space<hbm>> -> memref<16384x2048xf32, #tpu.memory_space<hbm>>
        tpu.enqueue_indirect_dma source(%arg7 : memref<16x2048xf32, #tpu.memory_space<vmem>>) target(%dma_start3A_202 : memref<16384x2048xf32, #tpu.memory_space<hbm>>) offsets(%add3A_193 : vector<16xi32>) semaphore(%run_scoped3A : memref<!tpu.dma_semaphore, #tpu.memory_space<semaphore_mem>>)
        %dma_wait3A_203 = arith.constant 0 : i32
        %dma_wait3A_204 = arith.constant 0 : i32
        %dma_wait3A_205 = tpu.memref_slice %arg5[%dma_wait3A_203, %dma_wait3A_204] : memref<16384x2048xf32, #tpu.memory_space<hbm>> -> memref<16384x2048xf32, #tpu.memory_space<hbm>>
        tpu.wait_indirect_dma semaphore(%run_scoped3A : memref<!tpu.dma_semaphore, #tpu.memory_space<semaphore_mem>>) src(%arg7 : memref<16x2048xf32, #tpu.memory_space<vmem>>) dst(%dma_wait3A_205 : memref<16384x2048xf32, #tpu.memory_space<hbm>>)
        tpu.yield
      }) : () -> ()
    }
    %while3A_40 = arith.constant 1 : i32
    scf.for %while3A_41 = %while3A_38 to %while3A_34 step %while3A_40  : i32 {
      %mul3A_42 = arith.constant 16 : i32
      %mul3A_43 = arith.muli %while3A_41, %mul3A_42 : i32
      %add3A_44 = arith.constant 272 : i32
      %add3A_45 = arith.addi %add3A_44, %mul3A_43 : i32
      %broadcast_in_dim3A = arith.constant 0 : i32
      %broadcast_in_dim3A_46 = vector.broadcast %broadcast_in_dim3A : i32 to vector<16xi32>
      %eq3A = arith.constant 0 : i32
      %eq3A_47 = vector.broadcast %eq3A : i32 to vector<16xi32>
      %eq3A_48 = arith.cmpi eq, %iota3A, %eq3A_47 : vector<16xi32>
      %add3A_49 = arith.constant 0 : i32
      %add3A_50 = arith.addi %add3A_45, %add3A_49 : i32
      %get3A = arith.index_cast %add3A_50 : i32 to index
      %get3A_51 = memref.load %arg8[%get3A] : memref<1024xi32, #tpu.memory_space<smem>>
      %broadcast_in_dim3A_52 = vector.broadcast %get3A_51 : i32 to vector<16xi32>
      %select_n3A = arith.select %eq3A_48, %broadcast_in_dim3A_52, %broadcast_in_dim3A_46 : vector<16xi1>, vector<16xi32>
      %eq3A_53 = arith.constant 1 : i32
      %eq3A_54 = vector.broadcast %eq3A_53 : i32 to vector<16xi32>
      %eq3A_55 = arith.cmpi eq, %iota3A, %eq3A_54 : vector<16xi32>
      %add3A_56 = arith.constant 1 : i32
      %add3A_57 = arith.addi %add3A_45, %add3A_56 : i32
      %get3A_58 = arith.index_cast %add3A_57 : i32 to index
      %get3A_59 = memref.load %arg8[%get3A_58] : memref<1024xi32, #tpu.memory_space<smem>>
      %broadcast_in_dim3A_60 = vector.broadcast %get3A_59 : i32 to vector<16xi32>
      %select_n3A_61 = arith.select %eq3A_55, %broadcast_in_dim3A_60, %select_n3A : vector<16xi1>, vector<16xi32>
      %eq3A_62 = arith.constant 2 : i32
      %eq3A_63 = vector.broadcast %eq3A_62 : i32 to vector<16xi32>
      %eq3A_64 = arith.cmpi eq, %iota3A, %eq3A_63 : vector<16xi32>
      %add3A_65 = arith.constant 2 : i32
      %add3A_66 = arith.addi %add3A_45, %add3A_65 : i32
      %get3A_67 = arith.index_cast %add3A_66 : i32 to index
      %get3A_68 = memref.load %arg8[%get3A_67] : memref<1024xi32, #tpu.memory_space<smem>>
      %broadcast_in_dim3A_69 = vector.broadcast %get3A_68 : i32 to vector<16xi32>
      %select_n3A_70 = arith.select %eq3A_64, %broadcast_in_dim3A_69, %select_n3A_61 : vector<16xi1>, vector<16xi32>
      %eq3A_71 = arith.constant 3 : i32
      %eq3A_72 = vector.broadcast %eq3A_71 : i32 to vector<16xi32>
      %eq3A_73 = arith.cmpi eq, %iota3A, %eq3A_72 : vector<16xi32>
      %add3A_74 = arith.constant 3 : i32
      %add3A_75 = arith.addi %add3A_45, %add3A_74 : i32
      %get3A_76 = arith.index_cast %add3A_75 : i32 to index
      %get3A_77 = memref.load %arg8[%get3A_76] : memref<1024xi32, #tpu.memory_space<smem>>
      %broadcast_in_dim3A_78 = vector.broadcast %get3A_77 : i32 to vector<16xi32>
      %select_n3A_79 = arith.select %eq3A_73, %broadcast_in_dim3A_78, %select_n3A_70 : vector<16xi1>, vector<16xi32>
      %eq3A_80 = arith.constant 4 : i32
      %eq3A_81 = vector.broadcast %eq3A_80 : i32 to vector<16xi32>
      %eq3A_82 = arith.cmpi eq, %iota3A, %eq3A_81 : vector<16xi32>
      %add3A_83 = arith.constant 4 : i32
      %add3A_84 = arith.addi %add3A_45, %add3A_83 : i32
      %get3A_85 = arith.index_cast %add3A_84 : i32 to index
      %get3A_86 = memref.load %arg8[%get3A_85] : memref<1024xi32, #tpu.memory_space<smem>>
      %broadcast_in_dim3A_87 = vector.broadcast %get3A_86 : i32 to vector<16xi32>
      %select_n3A_88 = arith.select %eq3A_82, %broadcast_in_dim3A_87, %select_n3A_79 : vector<16xi1>, vector<16xi32>
      %eq3A_89 = arith.constant 5 : i32
      %eq3A_90 = vector.broadcast %eq3A_89 : i32 to vector<16xi32>
      %eq3A_91 = arith.cmpi eq, %iota3A, %eq3A_90 : vector<16xi32>
      %add3A_92 = arith.constant 5 : i32
      %add3A_93 = arith.addi %add3A_45, %add3A_92 : i32
      %get3A_94 = arith.index_cast %add3A_93 : i32 to index
      %get3A_95 = memref.load %arg8[%get3A_94] : memref<1024xi32, #tpu.memory_space<smem>>
      %broadcast_in_dim3A_96 = vector.broadcast %get3A_95 : i32 to vector<16xi32>
      %select_n3A_97 = arith.select %eq3A_91, %broadcast_in_dim3A_96, %select_n3A_88 : vector<16xi1>, vector<16xi32>
      %eq3A_98 = arith.constant 6 : i32
      %eq3A_99 = vector.broadcast %eq3A_98 : i32 to vector<16xi32>
      %eq3A_100 = arith.cmpi eq, %iota3A, %eq3A_99 : vector<16xi32>
      %add3A_101 = arith.constant 6 : i32
      %add3A_102 = arith.addi %add3A_45, %add3A_101 : i32
      %get3A_103 = arith.index_cast %add3A_102 : i32 to index
      %get3A_104 = memref.load %arg8[%get3A_103] : memref<1024xi32, #tpu.memory_space<smem>>
      %broadcast_in_dim3A_105 = vector.broadcast %get3A_104 : i32 to vector<16xi32>
      %select_n3A_106 = arith.select %eq3A_100, %broadcast_in_dim3A_105, %select_n3A_97 : vector<16xi1>, vector<16xi32>
      %eq3A_107 = arith.constant 7 : i32
      %eq3A_108 = vector.broadcast %eq3A_107 : i32 to vector<16xi32>
      %eq3A_109 = arith.cmpi eq, %iota3A, %eq3A_108 : vector<16xi32>
      %add3A_110 = arith.constant 7 : i32
      %add3A_111 = arith.addi %add3A_45, %add3A_110 : i32
      %get3A_112 = arith.index_cast %add3A_111 : i32 to index
      %get3A_113 = memref.load %arg8[%get3A_112] : memref<1024xi32, #tpu.memory_space<smem>>
      %broadcast_in_dim3A_114 = vector.broadcast %get3A_113 : i32 to vector<16xi32>
      %select_n3A_115 = arith.select %eq3A_109, %broadcast_in_dim3A_114, %select_n3A_106 : vector<16xi1>, vector<16xi32>
      %eq3A_116 = arith.constant 8 : i32
      %eq3A_117 = vector.broadcast %eq3A_116 : i32 to vector<16xi32>
      %eq3A_118 = arith.cmpi eq, %iota3A, %eq3A_117 : vector<16xi32>
      %add3A_119 = arith.constant 8 : i32
      %add3A_120 = arith.addi %add3A_45, %add3A_119 : i32
      %get3A_121 = arith.index_cast %add3A_120 : i32 to index
      %get3A_122 = memref.load %arg8[%get3A_121] : memref<1024xi32, #tpu.memory_space<smem>>
      %broadcast_in_dim3A_123 = vector.broadcast %get3A_122 : i32 to vector<16xi32>
      %select_n3A_124 = arith.select %eq3A_118, %broadcast_in_dim3A_123, %select_n3A_115 : vector<16xi1>, vector<16xi32>
      %eq3A_125 = arith.constant 9 : i32
      %eq3A_126 = vector.broadcast %eq3A_125 : i32 to vector<16xi32>
      %eq3A_127 = arith.cmpi eq, %iota3A, %eq3A_126 : vector<16xi32>
      %add3A_128 = arith.constant 9 : i32
      %add3A_129 = arith.addi %add3A_45, %add3A_128 : i32
      %get3A_130 = arith.index_cast %add3A_129 : i32 to index
      %get3A_131 = memref.load %arg8[%get3A_130] : memref<1024xi32, #tpu.memory_space<smem>>
      %broadcast_in_dim3A_132 = vector.broadcast %get3A_131 : i32 to vector<16xi32>
      %select_n3A_133 = arith.select %eq3A_127, %broadcast_in_dim3A_132, %select_n3A_124 : vector<16xi1>, vector<16xi32>
      %eq3A_134 = arith.constant 10 : i32
      %eq3A_135 = vector.broadcast %eq3A_134 : i32 to vector<16xi32>
      %eq3A_136 = arith.cmpi eq, %iota3A, %eq3A_135 : vector<16xi32>
      %add3A_137 = arith.constant 10 : i32
      %add3A_138 = arith.addi %add3A_45, %add3A_137 : i32
      %get3A_139 = arith.index_cast %add3A_138 : i32 to index
      %get3A_140 = memref.load %arg8[%get3A_139] : memref<1024xi32, #tpu.memory_space<smem>>
      %broadcast_in_dim3A_141 = vector.broadcast %get3A_140 : i32 to vector<16xi32>
      %select_n3A_142 = arith.select %eq3A_136, %broadcast_in_dim3A_141, %select_n3A_133 : vector<16xi1>, vector<16xi32>
      %eq3A_143 = arith.constant 11 : i32
      %eq3A_144 = vector.broadcast %eq3A_143 : i32 to vector<16xi32>
      %eq3A_145 = arith.cmpi eq, %iota3A, %eq3A_144 : vector<16xi32>
      %add3A_146 = arith.constant 11 : i32
      %add3A_147 = arith.addi %add3A_45, %add3A_146 : i32
      %get3A_148 = arith.index_cast %add3A_147 : i32 to index
      %get3A_149 = memref.load %arg8[%get3A_148] : memref<1024xi32, #tpu.memory_space<smem>>
      %broadcast_in_dim3A_150 = vector.broadcast %get3A_149 : i32 to vector<16xi32>
      %select_n3A_151 = arith.select %eq3A_145, %broadcast_in_dim3A_150, %select_n3A_142 : vector<16xi1>, vector<16xi32>
      %eq3A_152 = arith.constant 12 : i32
      %eq3A_153 = vector.broadcast %eq3A_152 : i32 to vector<16xi32>
      %eq3A_154 = arith.cmpi eq, %iota3A, %eq3A_153 : vector<16xi32>
      %add3A_155 = arith.constant 12 : i32
      %add3A_156 = arith.addi %add3A_45, %add3A_155 : i32
      %get3A_157 = arith.index_cast %add3A_156 : i32 to index
      %get3A_158 = memref.load %arg8[%get3A_157] : memref<1024xi32, #tpu.memory_space<smem>>
      %broadcast_in_dim3A_159 = vector.broadcast %get3A_158 : i32 to vector<16xi32>
      %select_n3A_160 = arith.select %eq3A_154, %broadcast_in_dim3A_159, %select_n3A_151 : vector<16xi1>, vector<16xi32>
      %eq3A_161 = arith.constant 13 : i32
      %eq3A_162 = vector.broadcast %eq3A_161 : i32 to vector<16xi32>
      %eq3A_163 = arith.cmpi eq, %iota3A, %eq3A_162 : vector<16xi32>
      %add3A_164 = arith.constant 13 : i32
      %add3A_165 = arith.addi %add3A_45, %add3A_164 : i32
      %get3A_166 = arith.index_cast %add3A_165 : i32 to index
      %get3A_167 = memref.load %arg8[%get3A_166] : memref<1024xi32, #tpu.memory_space<smem>>
      %broadcast_in_dim3A_168 = vector.broadcast %get3A_167 : i32 to vector<16xi32>
      %select_n3A_169 = arith.select %eq3A_163, %broadcast_in_dim3A_168, %select_n3A_160 : vector<16xi1>, vector<16xi32>
      %eq3A_170 = arith.constant 14 : i32
      %eq3A_171 = vector.broadcast %eq3A_170 : i32 to vector<16xi32>
      %eq3A_172 = arith.cmpi eq, %iota3A, %eq3A_171 : vector<16xi32>
      %add3A_173 = arith.constant 14 : i32
      %add3A_174 = arith.addi %add3A_45, %add3A_173 : i32
      %get3A_175 = arith.index_cast %add3A_174 : i32 to index
      %get3A_176 = memref.load %arg8[%get3A_175] : memref<1024xi32, #tpu.memory_space<smem>>
      %broadcast_in_dim3A_177 = vector.broadcast %get3A_176 : i32 to vector<16xi32>
      %select_n3A_178 = arith.select %eq3A_172, %broadcast_in_dim3A_177, %select_n3A_169 : vector<16xi1>, vector<16xi32>
      %eq3A_179 = arith.constant 15 : i32
      %eq3A_180 = vector.broadcast %eq3A_179 : i32 to vector<16xi32>
      %eq3A_181 = arith.cmpi eq, %iota3A, %eq3A_180 : vector<16xi32>
      %add3A_182 = arith.constant 15 : i32
      %add3A_183 = arith.addi %add3A_45, %add3A_182 : i32
      %get3A_184 = arith.index_cast %add3A_183 : i32 to index
      %get3A_185 = memref.load %arg8[%get3A_184] : memref<1024xi32, #tpu.memory_space<smem>>
      %broadcast_in_dim3A_186 = vector.broadcast %get3A_185 : i32 to vector<16xi32>
      %select_n3A_187 = arith.select %eq3A_181, %broadcast_in_dim3A_186, %select_n3A_178 : vector<16xi1>, vector<16xi32>
      %shift_right_logical3A = arith.constant 9 : i32
      %shift_right_logical3A_188 = vector.broadcast %shift_right_logical3A : i32 to vector<16xi32>
      %shift_right_logical3A_189 = arith.shrui %select_n3A_187, %shift_right_logical3A_188 : vector<16xi32>
      %and3A = arith.constant 511 : i32
      %and3A_190 = vector.broadcast %and3A : i32 to vector<16xi32>
      %and3A_191 = arith.andi %select_n3A_187, %and3A_190 : vector<16xi32>
      %add3A_192 = vector.broadcast %mul3A_2 : i32 to vector<16xi32>
      %add3A_193 = arith.addi %and3A_191, %add3A_192 : vector<16xi32>
      %dma_start3A_194 = arith.constant 0 : i32
      %dma_start3A_195 = arith.constant 0 : i32
      %dma_start3A_196 = tpu.memref_slice %arg3[%dma_start3A_194, %dma_start3A_195] : memref<4096x2048xf32, #tpu.memory_space<hbm>> -> memref<4096x2048xf32, #tpu.memory_space<hbm>>
      tpu.enqueue_indirect_dma source(%dma_start3A_196 : memref<4096x2048xf32, #tpu.memory_space<hbm>>) target(%arg7 : memref<16x2048xf32, #tpu.memory_space<vmem>>) offsets(%shift_right_logical3A_189 : vector<16xi32>) semaphore(%arg10 : memref<!tpu.dma_semaphore, #tpu.memory_space<semaphore_mem>>)
      %dma_wait3A_197 = arith.constant 0 : i32
      %dma_wait3A_198 = arith.constant 0 : i32
      %dma_wait3A_199 = tpu.memref_slice %arg3[%dma_wait3A_197, %dma_wait3A_198] : memref<4096x2048xf32, #tpu.memory_space<hbm>> -> memref<4096x2048xf32, #tpu.memory_space<hbm>>
      tpu.wait_indirect_dma semaphore(%arg10 : memref<!tpu.dma_semaphore, #tpu.memory_space<semaphore_mem>>) src(%dma_wait3A_199 : memref<4096x2048xf32, #tpu.memory_space<hbm>>) dst(%arg7 : memref<16x2048xf32, #tpu.memory_space<vmem>>)
      "tpu.region"() ({
        %run_scoped3A = tpu.sem_alloc : memref<!tpu.dma_semaphore, #tpu.memory_space<semaphore_mem>>
        %dma_start3A_200 = arith.constant 0 : i32
        %dma_start3A_201 = arith.constant 0 : i32
        %dma_start3A_202 = tpu.memref_slice %arg5[%dma_start3A_200, %dma_start3A_201] : memref<16384x2048xf32, #tpu.memory_space<hbm>> -> memref<16384x2048xf32, #tpu.memory_space<hbm>>
        tpu.enqueue_indirect_dma source(%arg7 : memref<16x2048xf32, #tpu.memory_space<vmem>>) target(%dma_start3A_202 : memref<16384x2048xf32, #tpu.memory_space<hbm>>) offsets(%add3A_193 : vector<16xi32>) semaphore(%run_scoped3A : memref<!tpu.dma_semaphore, #tpu.memory_space<semaphore_mem>>)
        %dma_wait3A_203 = arith.constant 0 : i32
        %dma_wait3A_204 = arith.constant 0 : i32
        %dma_wait3A_205 = tpu.memref_slice %arg5[%dma_wait3A_203, %dma_wait3A_204] : memref<16384x2048xf32, #tpu.memory_space<hbm>> -> memref<16384x2048xf32, #tpu.memory_space<hbm>>
        tpu.wait_indirect_dma semaphore(%run_scoped3A : memref<!tpu.dma_semaphore, #tpu.memory_space<semaphore_mem>>) src(%arg7 : memref<16x2048xf32, #tpu.memory_space<vmem>>) dst(%dma_wait3A_205 : memref<16384x2048xf32, #tpu.memory_space<hbm>>)
        tpu.yield
      }) : () -> ()
    }
    return
  }
}

</mosaic_0001>

<sc_bundles>
// kernel: kernel.3.cloned.1.call-start
scs
__scs_entry_jumppad:
0x0: {  	(pc) =	sbr.rel $0x88, $3  }
0x1: {  	(tag) =	ssettag $0x0;
	lr =	simm.s32 $0x1  }
0x2: {  	[smem:$0x3F9E] =	sst lr;
	_ =	strace $0xD0000000  }
0x3: {  	_ = 	snop  }
0x4: {  	_ = 	snop  }
0x5: {  	_ = 	snop  }
0x6: {  	_ = 	snop  }
0x7: {  	_ = 	snop  }
__scs_overlays_trampoline_lowered:
0x8: {  	[smem:$0x3FAD] =	sst s0  }
0x9: {  	[smem:$0x3FAE] =	sst s1  }
0xa: {  	[smem:$0x3FAF] =	sst s2  }
0xb: {  	[smem:$0x3FB0] =	sst s3  }
0xc: {  	[smem:$0x3FB1] =	sst s4  }
0xd: {  	[smem:$0x3FB2] =	sst s5  }
0xe: {  	[smem:$0x3FB3] =	sst s6  }
0xf: {  	[smem:$0x3FB4] =	sst s7  }
0x10: {  	[smem:$0x3FB5] =	sst s8  }
0x11: {  	[smem:$0x3FB6] =	sst s9;
	s0 =	simm.s32 @!p0 $0x0  }
0x12: {  	s1 =	sld [smem:$0x3F9C];
	s0 =	simm.s32 @p0 $0x1  }
0x13: {  	[smem:$0x3FB7] =	sst s0;
	s0 =	simm.s32 @!p1 $0x0  }
0x14: {  	s2 =	sld [smem:$0x3F9B];
	s0 =	simm.s32 @p1 $0x1  }
0x15: {  	[smem:$0x3FB8] =	sst s0;
	s0 =	simm.s32 @!p2 $0x0  }
0x16: {  	s3 =	sld [smem:$0x3FDB];
	s0 =	simm.s32 @p2 $0x1  }
0x17: {  	s4 =	simm.s32 $0x1BF5;
	[smem:$0x3FBA] =	sst s0  }
0x18: {  	s0 =	sld [smem:$0x3F9D];
	_ =	swait.ge [sflag:s4], $0x0  }
0x19: {  	s7 =	sld [smem:$0x3F9E]  }
0x1a: {  	s8 =	sadd.s32 $0xFFFFE003, lr  }
0x1b: {  	s9 =	sadd.s32 $0xFFFFFEF7, lr;
	s5 =	simm.s32 $0xFFFFFFFF;
	p2 =	slt.u32 s8, $0xFFFFF086  }
0x1c: {  	p1 =	slt.u32 s9, $0xF7A;
	s5 =	simm.s32 @!p2 $0x0  }
0x1d: {  	s5 =	simm.s32 @p1 $0x1;
	p0 =	seq.s32 s7, s2  }
0x1e: {  	s7 =	smul.u32 @!p0 $0xF7A, s2;
	p2 =	seq.s32 @!p0 s5, $0x0  }
0x1f: {  	s9 =	smul.u32 $0xF7A, s1;
	s8 =	simm.s32 @!p0 $0x1BF5;
	p2 =	por !p2, p0  }
0x20: {  	[sflag:s8] =	ssyncset.s32 @!p0 $0xFFFFF086;
	s6 =	sadd.s32 @!p0 s3, s7;
	s7 =	simm.s32 @!p0 $0x108  }
0x21: {  	s3 =	sadd.s32 s3, s9;
	s6 =	sadd.s32 @!p0 $0x88, s6;
	s7 =	simm.s32 @p2 $0x1082  }
0x22: {  	[simem:s7], [sflag:s8] =	dma.local @!p0 [hbm:s6], $0xF7A  }
0x23: {  	s9 =	sor.u32 $0xD0000000, s2;
	s6 =	simm.s32 $0x108;
	_ =	swait.ge @!p0 [sflag:s8], $0x0  }
0x24: {  	s3 =	sadd.s32 $0x88, s3;
	s6 =	simm.s32 @!p1 $0x1082;
	[sflag:s4] =	ssyncset.s32 $0xFFFFF086  }
0x25: {  	[simem:s6], [sflag:s4] =	dma.local [hbm:s3], $0xF7A  }
0x26: {  	[smem:$0x3F9E] =	sst s1;
	(tag) =	ssettag s2;
	_ =	strace s9  }
0x27: {  	s1 =	sld [smem:$0x3FAE]  }
0x28: {  	s2 =	sld [smem:$0x3FAF]  }
0x29: {  	s4 =	sld [smem:$0x3FB1]  }
0x2a: {  	p0 =	seq.s32 s5, $0x0;
	s5 =	sld [smem:$0x3FB2]  }
0x2b: {  	s6 =	sld [smem:$0x3FB3]  }
0x2c: {  	s7 =	sld [smem:$0x3FB4]  }
0x2d: {  	s3 =	simm.s32 $0x108;
	s8 =	sld [smem:$0x3FB5]  }
0x2e: {  	s3 =	simm.s32 @!p0 $0x1082;
	s9 =	sld [smem:$0x3FB6]  }
0x2f: {  	lr =	sadd.s32 s0, s3;
	s0 =	sld [smem:$0x3FAD]  }
0x30: {  	s3 =	sld [smem:$0x3FB0]  }
0x31: {  	[smem:$0x3FB9] =	sst s10  }
0x32: {  	s10 =	sld [smem:$0x3FB7];
	_ =	sdelay $0x3  }
0x33: {  	p0 =	seq.s32 s10, $0x1;
	s10 =	sld [smem:$0x3FB9];
	_ =	sdelay $0x3  }
0x34: {  	[smem:$0x3FB9] =	sst s10  }
0x35: {  	s10 =	sld [smem:$0x3FB8];
	_ =	sdelay $0x3  }
0x36: {  	p1 =	seq.s32 s10, $0x1;
	s10 =	sld [smem:$0x3FB9];
	_ =	sdelay $0x3  }
0x37: {  	[smem:$0x3FB9] =	sst s10  }
0x38: {  	s10 =	sld [smem:$0x3FBA]  }
0x39: {  	_ = 	snop;
	(pc) =	sbr.ind lr, $3  }
0x3a: {  	_ = 	snop  }
0x3b: {  	_ = 	snop  }
0x3c: {  	p2 =	seq.s32 s10, $0x1;
	s10 =	sld [smem:$0x3FB9]  }
0x3d: {  	_ =	shalt  }
0x3e: {  	_ =	shalt  }
0x3f: {  	_ =	shalt  }
0x40: {  	_ =	shalt  }
0x41: {  	_ =	shalt  }
0x42: {  	_ =	shalt  }
0x43: {  	_ =	shalt  }
0x44: {  	_ =	shalt  }
0x45: {  	_ =	shalt  }
0x46: {  	_ =	shalt  }
0x47: {  	_ =	shalt  }
0x48: {  	_ =	shalt  }
0x49: {  	_ =	shalt  }
0x4a: {  	_ =	shalt  }
0x4b: {  	_ =	shalt  }
0x4c: {  	_ =	shalt  }
0x4d: {  	_ =	shalt  }
0x4e: {  	_ =	shalt  }
0x4f: {  	_ =	shalt  }
0x50: {  	_ =	shalt  }
0x51: {  	_ =	shalt  }
0x52: {  	_ =	shalt  }
0x53: {  	_ =	shalt  }
0x54: {  	_ =	shalt  }
0x55: {  	_ =	shalt  }
0x56: {  	_ =	shalt  }
0x57: {  	_ =	shalt  }
0x58: {  	_ =	shalt  }
0x59: {  	_ =	shalt  }
0x5a: {  	_ =	shalt  }
0x5b: {  	_ =	shalt  }
0x5c: {  	_ =	shalt  }
0x5d: {  	_ =	shalt  }
0x5e: {  	_ =	shalt  }
0x5f: {  	_ =	shalt  }
0x60: {  	_ =	shalt  }
0x61: {  	_ =	shalt  }
0x62: {  	_ =	shalt  }
0x63: {  	_ =	shalt  }
0x64: {  	_ =	shalt  }
0x65: {  	_ =	shalt  }
0x66: {  	_ =	shalt  }
0x67: {  	_ =	shalt  }
0x68: {  	_ =	shalt  }
0x69: {  	_ =	shalt  }
0x6a: {  	_ =	shalt  }
0x6b: {  	_ =	shalt  }
0x6c: {  	_ =	shalt  }
0x6d: {  	_ =	shalt  }
0x6e: {  	_ =	shalt  }
0x6f: {  	_ =	shalt  }
0x70: {  	_ =	shalt  }
0x71: {  	_ =	shalt  }
0x72: {  	_ =	shalt  }
0x73: {  	_ =	shalt  }
0x74: {  	_ =	shalt  }
0x75: {  	_ =	shalt  }
0x76: {  	_ =	shalt  }
0x77: {  	_ =	shalt  }
0x78: {  	_ =	shalt  }
0x79: {  	_ =	shalt  }
0x7a: {  	_ =	shalt  }
0x7b: {  	_ =	shalt  }
0x7c: {  	_ =	shalt  }
0x7d: {  	_ =	shalt  }
0x7e: {  	_ =	shalt  }
0x7f: {  	_ =	shalt  }
0x80: {  	_ =	shalt  }
0x81: {  	_ =	shalt  }
0x82: {  	_ =	shalt  }
0x83: {  	_ =	shalt  }
0x84: {  	_ =	shalt  }
0x85: {  	_ =	shalt  }
0x86: {  	_ =	shalt  }
0x87: {  	_ =	shalt  }
.Lfunc_end0:
.L_simem_size_0:
called_computation_lowered:
.L_overlay_start_0:
0x88: {  	s2 =	sld [smem:$0x3FD9]  }
0x89: {  	s3 =	sld [smem:$0x3FFE];
	_ =	sdelay $0x1  }
0x8a: {  	s1 =	srdreg.scid  }
0x8b: {  	s0 =	sand.u32 $0x1, s1  }
0x8c: {  	s17 =	sshll.u32 s0, $0xA;
	s2 =	sadd.s32 s3, s2  }
0x8d: {  	s2 =	sadd.s32 s2, s17  }
0x8e: {  	[smem:$0x3FC5] =	sst s2  }
0x8f: {  	_ = 	snop  }
0x90: {  	s2 =	sld [smem:$0x3FC9]  }
0x91: {  	s18 =	sld [smem:$0x3FC8]  }
0x92: {  	s4 =	sld [smem:$0x3FD0];
	(tm) =	ssettm $0x1  }
0x93: {  	s5 =	sld [smem:$0x3FFB];
	_ =	sdelay $0x3  }
0x94: {  	_ =	strace s5  }
0x95: {  	s5 =	sld [smem:$0x3FFC];
	_ =	sdelay $0x3  }
0x96: {  	_ =	strace s5  }
0x97: {  	s5 =	sld [smem:$0x3FFD];
	_ =	sdelay $0x3  }
0x98: {  	_ =	strace s5  }
0x99: {  	_ =	strace $0x8FFFFFFF  }
0x9a: {  	s19 =	sld [smem:$0x3FDB];
	_ =	sdelay $0x1  }
0x9b: {  	s6 =	simm.s32 $_scs_section_size  }
0x9c: {  	s7 =	simm.s32 $_size__tile_overlayer_lowered;
	s8 =	simm.s32 $_tile_overlayer_lowered  }
0x9d: {  	s22 =	simm.s32 $0x1BFF;
	s21 =	sshll.u32 s8, $0x1;
	s5 =	sadd.s32 s6, s19  }
0x9e: {  	s9 =	simm.s32 $0x0;
	s20 =	sshll.u32 s7, $0x1;
	s7 =	sadd.s32 s21, s5  }
0x9f: {  	[timem:s9], [sflag:s22] =	dma.local [hbm:s7], s20  }
0xa0: {  	_ =	swait.ge [sflag:s22], s20  }
0xa1: {  	s6 =	ssub.s32 $0x0, s20;
	[sflag:s22] =	ssyncset.done $0x0  }
0xa2: {  	[sflag:s22] =	ssyncadd.s32 s6;
	_ =	sdelay $0x1  }
0xa3: {  	s23 =	simm.s32 $0x1B8B  }
0xa4: {  	_ =	swait.ge [sflag:s23], $0x1  }
0xa5: {  	[sflag:s23] =	ssyncset.done $0x0  }
0xa6: {  	s25 =	simm.s32 $0x1B8E;
	s24 =	sld [smem:$0x3FFE];
	[sflag:s23] =	ssyncadd.s32 $0xFFFFFFFF  }
0xa7: {  	s26 =	simm.s32 $execute0_lowered;
	[smem:$0x3FD2] =	sst s25  }
0xa8: {  	s7 =	sshll.u32 s26, $0x1;
	_ =	strace $0x80000046;
	[dreg:$0x1] =	wrdreg $0xFFFFFFFF  }
0xa9: {  	s28 =	simm.s32 $_size_execute0_lowered;
	s5 =	sadd.s32 s5, s7;
	[dreg:$0x0] =	wrdreg $0x0  }
0xaa: {  	s7 =	sshll.u32 s28, $0x1;
	[dreg:$0x2] =	wrdreg s5  }
0xab: {  	[dreg:$0x3] =	wrdreg s7  }
0xac: {  	[dreg:$0x4] =	wrdreg $0xC0  }
0xad: {  	_ =	task [dreg:s9], $0x5FFFF  }
0xae: {  	[dreg:$0x1] =	wrdreg $0xFFFFFFFF  }
0xaf: {  	[dreg:$0x0] =	wrdreg $0x60  }
0xb0: {  	[dreg:$0x2] =	wrdreg s18  }
0xb1: {  	[dreg:$0x3] =	wrdreg s2  }
0xb2: {  	[dreg:$0x4] =	wrdreg s24  }
0xb3: {  	[dreg:$0x5] =	wrdreg s4  }
0xb4: {  	[dreg:$0x6] =	wrdreg $0x9  }
0xb5: {  	_ =	task.clear_ibuf [dreg:s9], $0x7FFFF;
	_ =	strace $0x90000046  }
0xb6: {  	s29 =	simm.s32 $0x9;
	_ =	strace $0x80000048  }
0xb7: {  	_ =	swait.ge [sflag:s29], $0x1  }
0xb8: {  	[sflag:s29] =	ssyncadd.s32 $0xFFFFFFFF  }
0xb9: {  	_ =	strace $0x90000048  }
0xba: {  	_ =	sfence  }
0xbb: {  	s30 =	sld [smem:$0x0];
	_ =	sdelay $0x2  }
0xbc: {  	s31 =	sshll.u32 s1, $0xD;
	s1 =	sshrl.u32 s1, $0x2  }
0xbd: {  	s3 =	sand.u32 $0x4000, s31;
	s1 =	sadd.s32 s1, s30  }
0xbe: {  	s0 =	sor.u32 s3, s0;
	s1 =	sshll.u32 s1, $0x11  }
0xbf: {  	s0 =	sor.u32 s1, s0  }
0xc0: {  	s0 =	sadd.s32 $0x8F2B, s0  }
0xc1: {  	[sflag:s0] =	ssyncadd.remote.s32 $0x1  }
0xc2: {  	_ =	sfence.sel $0xFFFF  }
0xc3: {  	[dreg:$0x0] =	wrdreg $0xFFFFFFFF;
	(pc) =	sbr.abs _section_cstart, $3  }
0xc4: {  	[dreg:$0x1] =	wrdreg $0xFFFFFFFF  }
0xc5: {  	_ =	task.clear_ibuf [dreg:s9], $0x2FFFF;
	_ =	strace $0x9FFFFFFF  }
0xc6: {  	(tm) =	ssettm $0x7FFFFFFF  }
0xc7: {  	_ =	shalt  }
tec
execute0_lowered:
.L_overlay_start_1:
0x0: {  	(tag) =	ssettag $0x1  }
0x1: {  	s0 =	rddreg [dreg:$0x0]  }
0x2: {  	s7 =	rddreg [dreg:$0x1]  }
0x3: {  	s1 =	rddreg [dreg:$0x2]  }
0x4: {  	s8 =	rddreg [dreg:$0x3];
	s4 =	simm.s32 $0x0  }
0x5: {  	[smem:$0x7FF] =	sst s4;
	s1 =	sadd.s32 $0x400, s1  }
0x6: {  	s20 =	sadd.s32 $0x100, s7;
	_ =	strace $0x80000047;
	[dreg:$0x7] =	wrdreg s1  }
0x7: {  	s11 =	sadd.s32 $0x200, s7;
	[dreg:$0x5] =	wrdreg s20  }
0x8: {  	s28 =	sadd.s32 $0x300, s7;
	[dreg:$0xb] =	wrdreg s11  }
0x9: {  	s12 =	sadd.s32 $0x400, s7;
	[dreg:$0xc] =	wrdreg s28  }
0xa: {  	s13 =	sadd.s32 $0x500, s7;
	[dreg:$0xd] =	wrdreg s12  }
0xb: {  	s14 =	sadd.s32 $0x600, s7;
	[dreg:$0xe] =	wrdreg s13  }
0xc: {  	s15 =	sadd.s32 $0x700, s7;
	[dreg:$0xf] =	wrdreg s14  }
0xd: {  	s2 =	srdreg.scid;
	s16 =	sadd.s32 $0x100, s8;
	[dreg:$0x10] =	wrdreg s15  }
0xe: {  	s9 =	stileid.u32;
	s17 =	sadd.s32 $0x200, s8;
	[dreg:$0x11] =	wrdreg s16  }
0xf: {  	s2 =	sand.u32 $0x1, s2;
	s19 =	sadd.s32 $0x300, s8;
	[dreg:$0x12] =	wrdreg s17  }
0x10: {  	s5 =	sshll.u32 s9, $0xA;
	s21 =	sadd.s32 $0x400, s8;
	[dreg:$0x13] =	wrdreg s19  }
0x11: {  	s22 =	sadd.s32 $0x500, s8;
	s23 =	sadd.s32 $0x600, s8;
	[dreg:$0x14] =	wrdreg s21  }
0x12: {  	vm0 =	vcmask $0x300;
	s3 =	ssub.s32 $0x2, s2;
	s2 =	sshll.u32 s2, $0x9;
	[dreg:$0x15] =	wrdreg s22  }
0x13: {  	vm1 =	vcmask $0x704;
	vm2 =	vcmask $0xB08;
	vm3 =	vcmask $0xF0C;
	s31 =	sadd.s32 $0x700, s8;
	[dreg:$0x16] =	wrdreg s23;
	s5 =	sor.u32 s2, s5  }
0x14: {  	vm4 =	vcmask $0x1310;
	vm5 =	vcmask $0x1714;
	vm6 =	vcmask $0x1B18;
	[dreg:$0x17] =	wrdreg s31;
	s6 =	sshrl.u32 s3, $0x1;
	s2 =	sshll.u32 s5, $0x8  }
.Ltmp0:
0x15: {  	vm7 =	vcmask $0x1F1C;
	vm8 =	vcmask $0x2320;
	vm9 =	vcmask $0x2724;
	[dreg:$0x6] =	wrdreg s5;
	s0 =	sadd.s32 s0, s2;
	(pc) =	sbr.rel .LBB2_1-.Ltmp0, $4  }
0x16: {  	vm10 =	vcmask $0x2B28;
	vm11 =	vcmask $0x2F2C;
	vm12 =	vcmask $0x3330;
	s24 =	ssub.s32 s3, s6;
	s25 =	sadd.s32 s8, s2;
	[dreg:$0x8] =	wrdreg s0  }
0x17: {  	vm13 =	vcmask $0x3734;
	v3 =	vlaneseq.u32;
	vm14 =	vcmask $0x3B38;
	s26 =	sshll.u32 s9, $0x6;
	s30 =	smax.u32 s24, $0x1;
	[dreg:$0x9] =	wrdreg s25  }
0x18: {  	vm15 =	vmmov $0xffff;
	v1 =	vand.u32 $0x7, v3;
	v2 =	vshrl.u32 v3, $0x3;
	s0 =	sor.u32 $0x1C01, s26;
	[dreg:$0x18] =	wrdreg s30  }
0x19: {  	s29 =	simm.s32 $0x3;
	v3 =	vor.u32 $0x8, v3;
	v2 =	vmul.u32 $0x8, v2;
	v0 =	vmov s5;
	s2 =	simm.s32 $0x0;
	[dreg:$0xa] =	wrdreg s0  }
.LBB2_17:
0x1a: {  	[sflag:s29] =	ssyncadd.s32 $0xFFFF8000;
	s2 =	rddreg [dreg:$0x19]  }
.LBB2_18:
0x1b: {  	s2 =	sadd.s32 $0x1, s2;
	s0 =	rddreg [dreg:$0x18]  }
0x1c: {  	p0 =	sne.s32 s2, s0  }
.Ltmp1:
0x1d: {  	_ = 	snop;
	(pc) =	sbr.rel @!p0 .LBB2_19-.Ltmp1, $1  }
0x1e: {  	_ =	sdelay $0x3  }
.LBB2_1:
0x1f: {  	[dreg:$0x19] =	wrdreg s2  }
0x20: {  	s0 =	rddreg [dreg:$0x8]  }
0x21: {  	s1 =	rddreg [dreg:$0x9]  }
0x22: {  	s31 =	rddreg [dreg:$0xa]  }
0x23: {  	[hbm:s1], [sflag:s31] =	dma.local [hbm:s0], $0x20000  }
0x24: {  	s0 =	rddreg [dreg:$0x7]  }
0x25: {  	[tilespmem:s4], [sflag:$0x3] =	stream.linear.gather [hbm4b:s0+s4], $0x1000, $0x38;
	[tilespmem:$0x9000] =	vst v63  }
0x26: {  	_ =	swait.ge [sflag:s29], $0x1000  }
0x27: {  	[sflag:s29] =	ssyncset.done $0x0  }
0x28: {  	s0 =	simm.s32 $0x0;
	[sflag:s29] =	ssyncadd.s32 $0xFFFFF000  }
.LBB2_2:
0x29: {  	p0 =	sne.s32 s0, $0x400  }
.Ltmp2:
0x2a: {  	_ = 	snop;
	(pc) =	sbr.rel @p0 .LBB2_2-.Ltmp2, $3  }
0x2b: {  	_ =	sdelay $0x1  }
0x2c: {  	s1 =	sshra.s32 s0, $0x2;
	s31 =	simm.s32 $0x0  }
0x2d: {  	s0 =	sadd.s32 $0x4, s0;
	[smem:s1] =	sst s31  }
0x2e: {  	s0 =	simm.s32 $0x0  }
0x2f: {  	v4 =	vld [tilespmem:s0+$0x0];
	_ =	sdelay $0x4  }
0x30: {  	(v2sf) =	vpush v4, $0xF  }
0x31: {  	(v2sf) =	vpush v4, $0xE  }
0x32: {  	(v2sf) =	vpush v4, $0xC  }
0x33: {  	(v2sf) =	vpush v4, $0xB  }
0x34: {  	(v2sf) =	vpush v4, $0x1  }
0x35: {  	(v2sf) =	vpush v4, $0x6  }
0x36: {  	(v2sf) =	vpush v4, $0x0;
	_ =	sdelay $0x1  }
0x37: {  	(v2sf) =	vpush v4, $0x2;
	_ =	sdelay $0x5  }
0x38: {  	s3 =	simm.s32 $0x10;
	s2 =	sand.u32 $0x3000, s31  }
0x39: {  	s10 =	simm.s32 $0x2;
	s20 =	rddreg [dreg:$0x6];
	s11 =	spop (v2sf)  }
0x3a: {  	s24 =	simm.s32 $0xFFFF0000;
	s25 =	simm.s32 $0x1;
	s1 =	spop (v2sf)  }
0x3b: {  	s0 =	simm.s32 $0x20;
	s9 =	ssub.s32 s2, s20;
	s7 =	spop (v2sf)  }
0x3c: {  	s8 =	sadd.s32 s9, s1;
	p1 =	sne.s32 s1, $0x0;
	s5 =	spop (v2sf)  }
0x3d: {  	s6 =	sadd.s32 s9, s7;
	p0 =	slt.u32 s8, $0x200;
	s17 =	spop (v2sf)  }
0x3e: {  	(v2sf) =	vpush v4, $0xD;
	s8 =	simm.s32 @!p0 $0x201;
	s13 =	spop (v2sf);
	s2 =	sadd.s32 s9, s17  }
0x3f: {  	(v2sf) =	vpush v4, $0x3;
	s8 =	simm.s32 @!p1 $0x201;
	s18 =	spop (v2sf);
	s12 =	sadd.s32 s9, s13  }
0x40: {  	p1 =	slt.u32 s2, $0x200;
	s23 =	sand.u32 $0x1, s8;
	s14 =	sadd.s32 s9, s18  }
0x41: {  	(v2sf) =	vpush v4, $0x4;
	s15 =	spop (v2sf);
	p3 =	sne.s32 s18, $0x0;
	s2 =	simm.s32 @!p1 $0x201  }
0x42: {  	s18 =	simm.s32 $0xFFFF0000;
	p0 =	slt.u32 s14, $0x200;
	s16 =	sadd.s32 s9, s15  }
0x43: {  	s14 =	simm.s32 @!p0 $0x201;
	p0 =	sne.s32 s17, $0x0;
	p2 =	slt.u32 s16, $0x200  }
0x44: {  	p1 =	sne.s32 s15, $0x0;
	s16 =	simm.s32 @!p2 $0x201;
	s2 =	simm.s32 @!p0 $0x201  }
0x45: {  	s14 =	simm.s32 @!p3 $0x201;
	p0 =	slt.u32 s12, $0x200;
	s1 =	sshrl.u32 s2, $0x1  }
0x46: {  	s2 =	sand.u32 $0x1, s2;
	s16 =	simm.s32 @!p1 $0x201;
	s12 =	simm.s32 @!p0 $0x201  }
0x47: {  	s17 =	sand.u32 $0x1, s14;
	s22 =	sshrl.u32 s14, $0x1;
	s19 =	sshll.u32 s2, $0x4  }
0x48: {  	p1 =	seq.s32 s2, $0x0;
	s21 =	sand.u32 $0x1, s16;
	p0 =	seq.s32 s17, $0x0  }
0x49: {  	s17 =	sshll.u32 s17, $0x4;
	s15 =	sshll.u32 s10, s19;
	s19 =	sld [smem:s22+$0x0]  }
0x4a: {  	(v2sf) =	vpush v4, $0xA;
	s2 =	simm.s32 $0x30;
	s16 =	sshrl.u32 s16, $0x1;
	s18 =	simm.s32 @!p1 $0xFFFF  }
0x4b: {  	p1 =	seq.s32 s21, $0x0;
	s24 =	simm.s32 @!p0 $0xFFFF;
	s17 =	sshll.u32 s25, s17  }
0x4c: {  	p0 =	seq.s32 s23, $0x0;
	s21 =	sshll.u32 s21, $0x4;
	s19 =	sand.u32 s19, s24  }
0x4d: {  	s10 =	sshll.u32 s23, $0x4;
	s17 =	sor.u32 s17, s19;
	s26 =	spop (v2sf)  }
0x4e: {  	s25 =	simm.s32 $0x4;
	[smem:s22] =	sst s17;
	s29 =	spop (v2sf)  }
0x4f: {  	s24 =	sadd.s32 s9, s26;
	s17 =	sld [smem:s1+$0x0];
	s28 =	sadd.s32 s9, s29  }
0x50: {  	p3 =	sne.s32 s29, $0x0;
	p4 =	slt.u32 s24, $0x200;
	s22 =	spop (v2sf)  }
0x51: {  	s29 =	simm.s32 $0x3;
	p2 =	slt.u32 s28, $0x200;
	s14 =	sadd.s32 s9, s22  }
0x52: {  	(v2sf) =	vpush v4, $0x5;
	s24 =	simm.s32 @!p4 $0x201;
	s19 =	sshll.u32 s29, s21;
	s28 =	simm.s32 @!p2 $0x201  }
0x53: {  	s17 =	sand.u32 s17, s18;
	s18 =	simm.s32 $0x5;
	p4 =	slt.u32 s14, $0x200  }
0x54: {  	s28 =	simm.s32 @!p3 $0x201;
	p3 =	sne.s32 s22, $0x0;
	s15 =	sor.u32 s15, s17  }
0x55: {  	s14 =	simm.s32 @!p4 $0x201;
	s23 =	sand.u32 $0x1, s28;
	[smem:s1] =	sst s15  }
0x56: {  	s1 =	simm.s32 $0xFFFF0000;
	s14 =	simm.s32 @!p3 $0x201;
	p2 =	seq.s32 s23, $0x0  }
0x57: {  	s17 =	sshll.u32 s23, $0x4;
	s15 =	sld [smem:s16+$0x0];
	s1 =	simm.s32 @!p1 $0xFFFF  }
0x58: {  	p1 =	sne.s32 s26, $0x0;
	s21 =	sand.u32 $0x1, s14;
	s29 =	sshrl.u32 s14, $0x1  }
0x59: {  	s23 =	spop (v2sf);
	s26 =	simm.s32 $0xFFFF0000;
	s24 =	simm.s32 @!p1 $0x201  }
0x5a: {  	(v2sf) =	vpush v4, $0x8;
	p3 =	seq.s32 s21, $0x0;
	s17 =	sshll.u32 s25, s17;
	s1 =	sand.u32 s15, s1  }
0x5b: {  	s26 =	simm.s32 @!p2 $0xFFFF;
	s14 =	sadd.s32 s9, s23;
	s1 =	sor.u32 s19, s1  }
0x5c: {  	(v2sf) =	vpush v4, $0x7;
	p2 =	slt.u32 s14, $0x200;
	s19 =	sshrl.u32 s28, $0x1;
	[smem:s16] =	sst s1  }
0x5d: {  	p5 =	sne.s32 s23, $0x0;
	s14 =	simm.s32 @!p2 $0x201;
	s22 =	sld [smem:s19+$0x0]  }
0x5e: {  	s25 =	sadd.s32 s9, s11;
	s15 =	sshll.u32 s21, $0x4;
	s14 =	simm.s32 @!p5 $0x201  }
0x5f: {  	s18 =	sshll.u32 s18, s15;
	s1 =	sand.u32 $0x1, s24;
	s15 =	sand.u32 $0x1, s14  }
0x60: {  	s14 =	sshrl.u32 s14, $0x1;
	p1 =	seq.s32 s1, $0x0;
	s26 =	sand.u32 s22, s26  }
0x61: {  	s1 =	sshll.u32 s1, $0x4;
	s28 =	spop (v2sf);
	s21 =	sor.u32 s17, s26  }
0x62: {  	p4 =	sne.s32 s28, $0x0;
	s16 =	sadd.s32 s9, s28;
	[smem:s19] =	sst s21  }
0x63: {  	s22 =	simm.s32 $0x6;
	s28 =	simm.s32 $0x7;
	s19 =	sld [smem:s29+$0x0]  }
0x64: {  	s17 =	simm.s32 $0xFFFF0000;
	p2 =	slt.u32 s16, $0x200;
	s26 =	simm.s32 $0x8  }
0x65: {  	s17 =	simm.s32 @!p3 $0xFFFF;
	s16 =	simm.s32 @!p2 $0x201;
	p2 =	seq.s32 s15, $0x0  }
0x66: {  	s16 =	simm.s32 @!p4 $0x201;
	p4 =	slt.u32 s25, $0x200;
	s17 =	sand.u32 s17, s19  }
0x67: {  	s15 =	sshll.u32 s15, $0x4;
	s25 =	simm.s32 @!p4 $0x201;
	s17 =	sor.u32 s18, s17  }
0x68: {  	s18 =	sshrl.u32 s16, $0x1;
	s16 =	sand.u32 $0x1, s16;
	[smem:s29] =	sst s17  }
0x69: {  	(v2sf) =	vpush v4, $0x9;
	p3 =	seq.s32 s16, $0x0;
	s17 =	simm.s32 $0xFFFF0000;
	s29 =	spop (v2sf)  }
0x6a: {  	s16 =	sshll.u32 s16, $0x4;
	s23 =	sld [smem:s18+$0x0];
	s17 =	simm.s32 @!p3 $0xFFFF  }
0x6b: {  	p3 =	sne.s32 s13, $0x0;
	s16 =	sshll.u32 s22, s16;
	s19 =	spop (v2sf)  }
0x6c: {  	p4 =	sne.s32 s29, $0x0;
	s12 =	simm.s32 @!p3 $0x201;
	p3 =	sne.s32 s11, $0x0  }
0x6d: {  	s11 =	sadd.s32 s9, s19;
	s22 =	sshrl.u32 s12, $0x1;
	s17 =	sand.u32 s17, s23  }
0x6e: {  	s12 =	sand.u32 $0x1, s12;
	p6 =	slt.u32 s11, $0x200;
	s21 =	sor.u32 s16, s17  }
0x6f: {  	s25 =	simm.s32 @!p3 $0x201;
	p5 =	seq.s32 s12, $0x0;
	[smem:s18] =	sst s21  }
0x70: {  	s12 =	sshll.u32 s12, $0x4;
	s18 =	simm.s32 $0xFFFF0000;
	s23 =	sld [smem:s22+$0x0]  }
0x71: {  	s11 =	simm.s32 @!p6 $0x201;
	s18 =	simm.s32 @!p5 $0xFFFF;
	p5 =	sne.s32 s19, $0x0  }
0x72: {  	s30 =	sshrl.u32 s25, $0x1;
	s12 =	sshll.u32 s28, s12;
	s11 =	simm.s32 @!p5 $0x201  }
0x73: {  	s19 =	sshrl.u32 s11, $0x1;
	s11 =	sand.u32 $0x1, s11;
	s18 =	sand.u32 s18, s23  }
0x74: {  	s17 =	simm.s32 $0xFFFF0000;
	s21 =	sshll.u32 s11, $0x4;
	s12 =	sor.u32 s12, s18  }
0x75: {  	p3 =	seq.s32 s11, $0x0;
	s11 =	sadd.s32 s9, s29;
	[smem:s22] =	sst s12  }
0x76: {  	s17 =	simm.s32 @!p3 $0xFFFF;
	p3 =	slt.u32 s11, $0x200;
	s13 =	sld [smem:s19+$0x0]  }
0x77: {  	s18 =	sand.u32 $0x1, s25;
	s12 =	sshll.u32 s26, s21;
	s21 =	simm.s32 $0x10  }
0x78: {  	s11 =	simm.s32 @!p3 $0x201;
	s22 =	simm.s32 $0x9;
	s26 =	spop (v2sf);
	v4 =	vld [tilespmem:s21+$0x0]  }
0x79: {  	s11 =	simm.s32 @!p4 $0x201;
	p4 =	sne.s32 s26, $0x0;
	s13 =	sand.u32 s17, s13  }
0x7a: {  	s23 =	sshrl.u32 s11, $0x1;
	s11 =	sand.u32 $0x1, s11;
	s12 =	sor.u32 s12, s13  }
0x7b: {  	s21 =	simm.s32 $0xC;
	s28 =	sshll.u32 s11, $0x4;
	[smem:s19] =	sst s12  }
0x7c: {  	p3 =	seq.s32 s11, $0x0;
	s11 =	sadd.s32 s9, s26;
	s29 =	sld [smem:s23+$0x0]  }
0x7d: {  	s26 =	simm.s32 $0x40;
	s9 =	sadd.s32 s9, s5;
	s19 =	simm.s32 $0xFFFF0000;
	(v2sf) =	vpush v4, $0xF  }
0x7e: {  	s16 =	sshll.u32 s22, s28;
	s19 =	simm.s32 @!p3 $0xFFFF;
	p3 =	slt.u32 s11, $0x200  }
0x7f: {  	s22 =	simm.s32 $0xA;
	s11 =	simm.s32 @!p3 $0x201;
	s17 =	sand.u32 s19, s29  }
0x80: {  	(v2sf) =	vpush v4, $0xE;
	p3 =	seq.s32 s18, $0x0;
	s11 =	simm.s32 @!p4 $0x201;
	s12 =	sor.u32 s16, s17  }
0x81: {  	s29 =	simm.s32 $0xB;
	s16 =	sshrl.u32 s11, $0x1;
	[smem:s23] =	sst s12  }
0x82: {  	s11 =	sand.u32 $0x1, s11;
	s17 =	simm.s32 $0xFFFF0000;
	s13 =	sld [smem:s16+$0x0]  }
0x83: {  	(v2sf) =	vpush v4, $0xC;
	s19 =	sshll.u32 s11, $0x4;
	p4 =	seq.s32 s11, $0x0;
	s12 =	simm.s32 $0xE  }
0x84: {  	s17 =	simm.s32 @!p4 $0xFFFF;
	s23 =	sshll.u32 s22, s19;
	p4 =	sne.s32 s5, $0x0  }
0x85: {  	s22 =	simm.s32 $0xF;
	s28 =	sand.u32 s17, s13;
	s17 =	simm.s32 $0xFFFF0000  }
0x86: {  	s11 =	sor.u32 s23, s28;
	s17 =	simm.s32 @!p2 $0xFFFF;
	p2 =	slt.u32 s9, $0x200  }
0x87: {  	s5 =	simm.s32 $0x12;
	[smem:s16] =	sst s11;
	s9 =	simm.s32 @!p2 $0x201  }
0x88: {  	s28 =	simm.s32 $0xD;
	s19 =	sld [smem:s14+$0x0];
	s9 =	simm.s32 @!p4 $0x201  }
0x89: {  	(v2sf) =	vpush v4, $0xB;
	s16 =	sshll.u32 s29, s15;
	s15 =	sshll.u32 s22, s10;
	s23 =	sand.u32 $0x1, s9  }
0x8a: {  	s10 =	simm.s32 $0xFFFF0000;
	s9 =	sshrl.u32 s9, $0x1;
	s29 =	sshll.u32 s23, $0x4  }
0x8b: {  	p2 =	seq.s32 s23, $0x0;
	s23 =	sshll.u32 s18, $0x4;
	s13 =	sand.u32 s17, s19  }
0x8c: {  	s18 =	sshrl.u32 s24, $0x1;
	s24 =	spop (v2sf);
	s11 =	sor.u32 s16, s13  }
0x8d: {  	s10 =	simm.s32 @!p2 $0xFFFF;
	s17 =	sshrl.u32 s8, $0x1;
	[smem:s14] =	sst s11  }
0x8e: {  	s21 =	sshll.u32 s21, s29;
	p2 =	sne.s32 s7, $0x0;
	s14 =	sld [smem:s9+$0x0]  }
0x8f: {  	s19 =	simm.s32 $0xFFFF0000;
	s25 =	spop (v2sf);
	s16 =	simm.s32 $0xFFFF0000  }
0x90: {  	s13 =	sshll.u32 s3, s23;
	s16 =	simm.s32 @!p0 $0xFFFF;
	p0 =	slt.u32 s6, $0x200  }
0x91: {  	s19 =	simm.s32 @!p1 $0xFFFF;
	s6 =	simm.s32 @!p0 $0x201;
	s22 =	sand.u32 s10, s14  }
0x92: {  	s8 =	spop (v2sf);
	s6 =	simm.s32 @!p2 $0x201;
	s21 =	sor.u32 s21, s22  }
0x93: {  	s29 =	sand.u32 $0x1, s6;
	s10 =	sshrl.u32 s6, $0x1;
	[smem:s9] =	sst s21  }
0x94: {  	s14 =	simm.s32 $0xFFFF0000;
	p0 =	seq.s32 s29, $0x0;
	s23 =	sld [smem:s10+$0x0]  }
0x95: {  	(v2sf) =	vpush v4, $0x1;
	s29 =	sshll.u32 s29, $0x4;
	s22 =	sand.u32 $0x3000, s26;
	s9 =	simm.s32 $0xFFFF0000  }
0x96: {  	(v2sf) =	vpush v4, $0x6;
	s14 =	simm.s32 @!p3 $0xFFFF;
	s6 =	ssub.s32 s22, s20;
	s9 =	simm.s32 @!p0 $0xFFFF  }
0x97: {  	(v2sf) =	vpush v4, $0x0;
	s11 =	sshll.u32 s28, s29;
	s3 =	sadd.s32 s6, s25;
	s9 =	sand.u32 s9, s23  }
0x98: {  	(v2sf) =	vpush v4, $0x2;
	s7 =	sadd.s32 s6, s8;
	s11 =	sor.u32 s11, s9;
	s9 =	spop (v2sf)  }
.LBB2_4:
0x99: {  	_ = 	snop  }
0x9a: {  	[smem:s10] =	sst s11  }
0x9b: {  	s23 =	sld [smem:s18+$0x0];
	_ =	sdelay $0x2  }
0x9c: {  	s12 =	sshll.u32 s12, s1;
	s19 =	sand.u32 s19, s23  }
0x9d: {  	s12 =	sor.u32 s12, s19  }
0x9e: {  	[smem:s18] =	sst s12  }
0x9f: {  	s18 =	sld [smem:s17+$0x0]  }
0xa0: {  	p1 =	slt.u32 s3, $0x200;
	s28 =	smov.u32 s0  }
0xa1: {  	s0 =	smov.u32 s2;
	p0 =	sne.s32 s25, $0x0;
	s26 =	sadd.s32 $0x40, s26  }
0xa2: {  	s3 =	simm.s32 @!p1 $0x201;
	s16 =	sand.u32 s16, s18;
	s29 =	spop (v2sf)  }
0xa3: {  	s3 =	simm.s32 @!p0 $0x201;
	s15 =	sor.u32 s15, s16;
	s11 =	spop (v2sf)  }
0xa4: {  	s19 =	sadd.s32 s6, s29;
	[smem:s17] =	sst s15;
	s20 =	spop (v2sf)  }
0xa5: {  	s10 =	sadd.s32 s6, s11;
	p0 =	slt.u32 s19, $0x200;
	s21 =	sadd.s32 s6, s20  }
0xa6: {  	(v2sf) =	vpush v4, $0xD;
	s22 =	spop (v2sf);
	p3 =	sne.s32 s20, $0x0;
	s19 =	simm.s32 @!p0 $0x201  }
0xa7: {  	p0 =	slt.u32 s10, $0x200;
	s20 =	simm.s32 $0xFFFF0000;
	s1 =	sadd.s32 s6, s22  }
0xa8: {  	(v2sf) =	vpush v4, $0x3;
	p1 =	slt.u32 s21, $0x200;
	s10 =	simm.s32 @!p0 $0x201;
	p2 =	slt.u32 s1, $0x200  }
0xa9: {  	s21 =	simm.s32 @!p1 $0x201;
	p1 =	sne.s32 s29, $0x0;
	s1 =	simm.s32 @!p2 $0x201  }
0xaa: {  	(v2sf) =	vpush v4, $0x4;
	s21 =	simm.s32 @!p3 $0x201;
	s19 =	simm.s32 @!p1 $0x201;
	p1 =	sne.s32 s22, $0x0  }
0xab: {  	s22 =	sld [smem:s30+$0x0];
	s12 =	sshrl.u32 s19, $0x1;
	s25 =	sand.u32 $0x1, s19  }
0xac: {  	s1 =	simm.s32 @!p1 $0x201;
	s23 =	sand.u32 $0x1, s21;
	s18 =	sshrl.u32 s21, $0x1  }
0xad: {  	s29 =	sshll.u32 s25, $0x4;
	p1 =	seq.s32 s25, $0x0;
	s19 =	sand.u32 $0x1, s1  }
0xae: {  	s15 =	sshll.u32 s5, s29;
	s29 =	sand.u32 $0x1, s3;
	s14 =	sand.u32 s14, s22  }
0xaf: {  	p2 =	seq.s32 s23, $0x0;
	p0 =	seq.s32 s29, $0x0;
	s13 =	sor.u32 s13, s14  }
0xb0: {  	s20 =	simm.s32 @!p1 $0xFFFF;
	s5 =	simm.s32 @!p0 $0x0;
	[smem:s30] =	sst s13  }
0xb1: {  	p1 =	seq.s32 s19, $0x0;
	s5 =	simm.s32 @p0 $0x1;
	s13 =	sld [smem:s18+$0x0]  }
0xb2: {  	[smem:$0x7FD] =	sst s5;
	s5 =	sshll.u32 s19, $0x4;
	s19 =	simm.s32 $0xFFFF0000  }
0xb3: {  	s21 =	sshll.u32 s23, $0x4;
	s23 =	sadd.s32 $0xFFFFFFF1, s28;
	s19 =	simm.s32 @!p2 $0xFFFF  }
0xb4: {  	s1 =	sshrl.u32 s1, $0x1;
	s14 =	sshll.u32 s23, s21;
	s13 =	sand.u32 s13, s19  }
0xb5: {  	s30 =	sshll.u32 s29, $0x4;
	s17 =	spop (v2sf);
	s13 =	sor.u32 s14, s13  }
0xb6: {  	s29 =	sadd.s32 $0x10, s2;
	s25 =	sadd.s32 s6, s17;
	[smem:s18] =	sst s13  }
0xb7: {  	s13 =	sadd.s32 $0xFFFFFFF5, s28;
	s16 =	spop (v2sf);
	(v2sf) =	vpush v4, $0xA;
	s23 =	sld [smem:s12+$0x0]  }
0xb8: {  	p4 =	slt.u32 s25, $0x200;
	s22 =	sadd.s32 s6, s16;
	p3 =	sne.s32 s16, $0x0  }
0xb9: {  	(v2sf) =	vpush v4, $0x5;
	s16 =	spop (v2sf);
	s25 =	simm.s32 @!p4 $0x201;
	p2 =	slt.u32 s22, $0x200  }
0xba: {  	s19 =	sadd.s32 s6, s16;
	s22 =	simm.s32 @!p2 $0x201;
	s23 =	sand.u32 s23, s20  }
0xbb: {  	(v2sf) =	vpush v4, $0x8;
	s22 =	simm.s32 @!p3 $0x201;
	p3 =	sne.s32 s16, $0x0;
	s16 =	simm.s32 $0xFFFF0000  }
0xbc: {  	s14 =	sor.u32 s15, s23;
	s15 =	sadd.s32 $0xFFFFFFF3, s28;
	s21 =	sand.u32 $0x1, s22  }
0xbd: {  	s16 =	simm.s32 @!p1 $0xFFFF;
	p1 =	slt.u32 s19, $0x200;
	[smem:s12] =	sst s14  }
0xbe: {  	s5 =	sshll.u32 s15, s5;
	p2 =	seq.s32 s21, $0x0;
	s18 =	sshll.u32 s21, $0x4  }
0xbf: {  	s21 =	sadd.s32 $0xFFFFFFF4, s28;
	s19 =	simm.s32 @!p1 $0x201;
	s23 =	sld [smem:s1+$0x0]  }
0xc0: {  	p1 =	sne.s32 s17, $0x0;
	s17 =	sshrl.u32 s22, $0x1;
	s19 =	simm.s32 @!p3 $0x201  }
0xc1: {  	(v2sf) =	vpush v4, $0x7;
	s25 =	simm.s32 @!p1 $0x201;
	s22 =	sshll.u32 s21, s18;
	s18 =	simm.s32 $0xFFFF0000  }
0xc2: {  	s14 =	sshrl.u32 s19, $0x1;
	s20 =	sand.u32 $0x1, s19;
	s15 =	sand.u32 s23, s16  }
0xc3: {  	s12 =	sand.u32 $0x1, s25;
	s19 =	sshll.u32 s20, $0x4;
	s15 =	sor.u32 s5, s15  }
0xc4: {  	p4 =	seq.s32 s20, $0x0;
	p1 =	seq.s32 s12, $0x0;
	[smem:s1] =	sst s15  }
0xc5: {  	s18 =	simm.s32 @!p4 $0xFFFF;
	s19 =	sshll.u32 s13, s19;
	s15 =	sld [smem:s17+$0x0]  }
0xc6: {  	s1 =	sshll.u32 s12, $0x4;
	s12 =	simm.s32 $0xFFFF0000;
	s23 =	spop (v2sf)  }
0xc7: {  	s12 =	simm.s32 @!p2 $0xFFFF;
	p2 =	sne.s32 s2, $0x1000;
	s5 =	sadd.s32 s6, s23  }
0xc8: {  	s20 =	spop (v2sf);
	p6 =	sne.s32 s23, $0x0;
	s23 =	sand.u32 s15, s12  }
0xc9: {  	p3 =	sne.s32 s20, $0x0;
	p5 =	slt.u32 s5, $0x200;
	s15 =	sadd.s32 s6, s20  }
0xca: {  	s13 =	sor.u32 s22, s23;
	s22 =	sadd.s32 $0xFFFFFFF6, s28;
	s20 =	spop (v2sf)  }
0xcb: {  	s5 =	simm.s32 @!p5 $0x201;
	p5 =	slt.u32 s15, $0x200;
	[smem:s17] =	sst s13  }
0xcc: {  	s5 =	simm.s32 @!p6 $0x201;
	s21 =	sld [smem:s14+$0x0];
	s15 =	simm.s32 @!p5 $0x201  }
0xcd: {  	s13 =	sadd.s32 $0xFFFFFFF8, s28;
	s12 =	sand.u32 $0x1, s5;
	s15 =	simm.s32 @!p3 $0x201  }
0xce: {  	s17 =	simm.s32 $0xFFFF0000;
	p4 =	seq.s32 s12, $0x0;
	s23 =	sshrl.u32 s15, $0x1  }
0xcf: {  	s15 =	sand.u32 $0x1, s15;
	s12 =	sshll.u32 s12, $0x4;
	s2 =	sand.u32 s18, s21  }
0xd0: {  	p3 =	seq.s32 s15, $0x0;
	s18 =	spop (v2sf);
	s15 =	sshll.u32 s15, $0x4  }
0xd1: {  	s2 =	sor.u32 s19, s2;
	s19 =	simm.s32 $0xFFFF0000;
	s16 =	sshll.u32 s22, s15  }
0xd2: {  	(v2sf) =	vpush v4, $0x9;
	p0 =	sne.s32 s18, $0x0;
	s19 =	simm.s32 @!p3 $0xFFFF;
	[smem:s14] =	sst s2  }
0xd3: {  	p3 =	sne.s32 s11, $0x0;
	s2 =	sadd.s32 s6, s24;
	s14 =	sld [smem:s23+$0x0]  }
0xd4: {  	p5 =	slt.u32 s2, $0x200;
	s10 =	simm.s32 @!p3 $0x201;
	p3 =	sne.s32 s24, $0x0  }
0xd5: {  	s24 =	sadd.s32 $0xFFFFFFF7, s28;
	s2 =	simm.s32 @!p5 $0x201;
	s15 =	sshrl.u32 s10, $0x1  }
0xd6: {  	s21 =	sand.u32 $0x1, s10;
	s2 =	simm.s32 @!p3 $0x201;
	s11 =	sand.u32 s19, s14  }
0xd7: {  	p5 =	seq.s32 s21, $0x0;
	s22 =	sshll.u32 s21, $0x4;
	s11 =	sor.u32 s16, s11  }
0xd8: {  	s21 =	sadd.s32 $0xFFFFFFF9, s28;
	s14 =	sadd.s32 s6, s18;
	[smem:s23] =	sst s11  }
0xd9: {  	s10 =	sand.u32 $0x1, s2;
	p6 =	slt.u32 s14, $0x200;
	s23 =	sld [smem:s15+$0x0]  }
0xda: {  	s17 =	simm.s32 @!p5 $0xFFFF;
	p5 =	sne.s32 s20, $0x0;
	s14 =	simm.s32 @!p6 $0x201  }
0xdb: {  	p3 =	seq.s32 s10, $0x0;
	s11 =	sshll.u32 s24, s22;
	s14 =	simm.s32 @!p0 $0x201  }
0xdc: {  	s18 =	sshrl.u32 s14, $0x1;
	s14 =	sand.u32 $0x1, s14;
	s16 =	sand.u32 s17, s23  }
0xdd: {  	s19 =	sshll.u32 s14, $0x4;
	p0 =	seq.s32 s14, $0x0;
	s11 =	sor.u32 s11, s16  }
0xde: {  	s14 =	sadd.s32 s6, s20;
	[smem:s15] =	sst s11;
	s11 =	simm.s32 $0xFFFF0000  }
0xdf: {  	s11 =	simm.s32 @!p0 $0xFFFF;
	p0 =	slt.u32 s14, $0x200;
	s15 =	sld [smem:s18+$0x0]  }
0xe0: {  	s20 =	sadd.s32 $0xFFFFFFFA, s28;
	s23 =	rddreg [dreg:$0x6];
	s14 =	simm.s32 @!p0 $0x201  }
0xe1: {  	s13 =	sshll.u32 s13, s19;
	s22 =	spop (v2sf);
	s14 =	simm.s32 @!p5 $0x201  }
0xe2: {  	s17 =	sshrl.u32 s14, $0x1;
	s14 =	sand.u32 $0x1, s14;
	s11 =	sand.u32 s11, s15  }
0xe3: {  	p5 =	sne.s32 s22, $0x0;
	s24 =	sshll.u32 s14, $0x4;
	s11 =	sor.u32 s13, s11  }
0xe4: {  	p0 =	seq.s32 s14, $0x0;
	s13 =	sadd.s32 s6, s22;
	[smem:s18] =	sst s11  }
0xe5: {  	s6 =	sadd.s32 s6, s9;
	s14 =	simm.s32 $0xFFFF0000;
	s18 =	sld [smem:s17+$0x0]  }
0xe6: {  	s11 =	simm.s32 $0xFFFF0000;
	s15 =	sshll.u32 s21, s24;
	s21 =	sshra.s32 s26, $0x2  }
0xe7: {  	s24 =	sshrl.u32 s5, $0x1;
	s11 =	simm.s32 @!p0 $0xFFFF;
	p0 =	slt.u32 s13, $0x200;
	v4 =	vld [tilespmem:s21+$0x0]  }
0xe8: {  	s14 =	simm.s32 @!p3 $0xFFFF;
	s13 =	simm.s32 @!p0 $0x201;
	s11 =	sand.u32 s11, s18  }
0xe9: {  	s21 =	sadd.s32 $0xFFFFFFFF, s28;
	s13 =	simm.s32 @!p5 $0x201;
	s11 =	sor.u32 s15, s11  }
0xea: {  	s16 =	sshrl.u32 s13, $0x1;
	s13 =	sand.u32 $0x1, s13;
	[smem:s17] =	sst s11  }
0xeb: {  	s18 =	sadd.s32 $0xFFFFFFFB, s28;
	s19 =	sshll.u32 s13, $0x4;
	s22 =	sld [smem:s16+$0x0]  }
0xec: {  	p0 =	seq.s32 s13, $0x0;
	s15 =	sshll.u32 s21, s30;
	s11 =	simm.s32 $0xFFFF0000;
	(v2sf) =	vpush v4, $0xF  }
0xed: {  	s30 =	sshrl.u32 s2, $0x1;
	s13 =	sshll.u32 s20, s19;
	s11 =	simm.s32 @!p0 $0xFFFF  }
0xee: {  	s19 =	sshll.u32 s18, s12;
	s12 =	sadd.s32 $0xFFFFFFFE, s28;
	s17 =	sand.u32 s11, s22  }
0xef: {  	p0 =	slt.u32 s6, $0x200;
	s5 =	sor.u32 s13, s17;
	s17 =	sld [smem:$0x7FD]  }
0xf0: {  	s20 =	sadd.s32 $0xFFFFFFFC, s28;
	(v2sf) =	vpush v4, $0xE;
	s6 =	simm.s32 @!p0 $0x201;
	[smem:s16] =	sst s5  }
0xf1: {  	(v2sf) =	vpush v4, $0xC;
	s11 =	sadd.s32 $0xFFFFFFFD, s28;
	s13 =	simm.s32 $0xFFFF0000;
	s16 =	sld [smem:s24+$0x0]  }
0xf2: {  	s13 =	simm.s32 @!p4 $0xFFFF;
	p4 =	sne.s32 s9, $0x0;
	s5 =	sadd.s32 $0xFFFFFFF2, s0  }
0xf3: {  	(v2sf) =	vpush v4, $0xB;
	s9 =	simm.s32 $0xFFFF0000;
	s6 =	simm.s32 @!p4 $0x201;
	p4 =	seq.s32 s17, $0x1  }
0xf4: {  	s17 =	sshrl.u32 s3, $0x1;
	s13 =	sand.u32 s13, s16;
	s16 =	simm.s32 $0xFFFF0000  }
0xf5: {  	s13 =	sor.u32 s19, s13;
	s19 =	sshrl.u32 s6, $0x1;
	s6 =	sand.u32 $0x1, s6  }
0xf6: {  	s16 =	simm.s32 @!p4 $0xFFFF;
	p4 =	sne.s32 s8, $0x0;
	[smem:s24] =	sst s13  }
0xf7: {  	s22 =	sshll.u32 s6, $0x4;
	p0 =	seq.s32 s6, $0x0;
	s24 =	sld [smem:s19+$0x0]  }
0xf8: {  	s9 =	simm.s32 @!p0 $0xFFFF;
	p0 =	slt.u32 s7, $0x200;
	s18 =	sshll.u32 s20, s22  }
0xf9: {  	s20 =	sshll.u32 s10, $0x4;
	s22 =	sand.u32 $0x3000, s26;
	s7 =	simm.s32 @!p0 $0x201  }
0xfa: {  	s13 =	sshll.u32 s28, s20;
	s7 =	simm.s32 @!p4 $0x201;
	s6 =	sand.u32 s9, s24  }
0xfb: {  	s21 =	sand.u32 $0x1, s7;
	s10 =	sshrl.u32 s7, $0x1;
	s24 =	spop (v2sf)  }
0xfc: {  	s9 =	simm.s32 $0xFFFF0000;
	s3 =	sor.u32 s18, s6;
	p0 =	seq.s32 s21, $0x0  }
0xfd: {  	s18 =	sshrl.u32 s25, $0x1;
	s6 =	ssub.s32 s22, s23;
	[smem:s19] =	sst s3  }
.Ltmp3:
0xfe: {  	s23 =	sshll.u32 s21, $0x4;
	s7 =	sld [smem:s10+$0x0];
	(pc) =	sbr.rel @p2 .LBB2_4-.Ltmp3, $4  }
0xff: {  	(v2sf) =	vpush v4, $0x1;
	s25 =	spop (v2sf);
	s19 =	simm.s32 $0xFFFF0000;
	s9 =	simm.s32 @!p0 $0xFFFF  }
0x100: {  	(v2sf) =	vpush v4, $0x6;
	s2 =	sshll.u32 s11, s23;
	s3 =	sadd.s32 s6, s25;
	s8 =	spop (v2sf)  }
0x101: {  	(v2sf) =	vpush v4, $0x0;
	s19 =	simm.s32 @!p1 $0xFFFF;
	s28 =	sand.u32 s9, s7;
	s7 =	sadd.s32 s6, s8  }
0x102: {  	(v2sf) =	vpush v4, $0x2;
	s9 =	spop (v2sf);
	s11 =	sor.u32 s2, s28;
	s2 =	smov.u32 s29  }
0x103: {  	[smem:s10] =	sst s11  }
0x104: {  	s2 =	sld [smem:s18+$0x0];
	_ =	sdelay $0x2  }
0x105: {  	s1 =	sshll.u32 s12, s1;
	s2 =	sand.u32 s19, s2  }
0x106: {  	s1 =	sor.u32 s1, s2  }
0x107: {  	[smem:s18] =	sst s1  }
0x108: {  	s1 =	sld [smem:s17+$0x0];
	_ =	sdelay $0x2  }
0x109: {  	s1 =	sand.u32 s16, s1  }
0x10a: {  	s18 =	spop (v2sf);
	s1 =	sor.u32 s15, s1  }
0x10b: {  	s2 =	spop (v2sf);
	[smem:s17] =	sst s1  }
0x10c: {  	s19 =	spop (v2sf);
	s11 =	sld [smem:s30+$0x0]  }
0x10d: {  	s12 =	sadd.s32 s6, s19  }
0x10e: {  	(v2sf) =	vpush v4, $0xD;
	p0 =	slt.u32 s12, $0x200  }
0x10f: {  	(v2sf) =	vpush v4, $0x3;
	s12 =	simm.s32 @!p0 $0x201;
	p0 =	sne.s32 s19, $0x0;
	s20 =	sand.u32 s14, s11  }
0x110: {  	s28 =	sadd.s32 $0xFFFFFFF1, s0;
	s12 =	simm.s32 @!p0 $0x201;
	s1 =	sor.u32 s13, s20  }
0x111: {  	s21 =	spop (v2sf);
	s22 =	sshrl.u32 s12, $0x1;
	[smem:s30] =	sst s1  }
0x112: {  	s14 =	simm.s32 $0xFFFF0000;
	s23 =	sand.u32 $0x1, s12;
	s26 =	sld [smem:s22+$0x0]  }
0x113: {  	p0 =	sne.s32 s18, $0x0;
	s1 =	sadd.s32 s6, s18;
	p2 =	seq.s32 s23, $0x0  }
0x114: {  	(v2sf) =	vpush v4, $0x4;
	p1 =	slt.u32 s1, $0x200;
	s10 =	sshll.u32 s23, $0x4;
	s14 =	simm.s32 @!p2 $0xFFFF  }
0x115: {  	s1 =	simm.s32 @!p1 $0x201;
	s10 =	sshll.u32 s28, s10;
	s12 =	sand.u32 s26, s14  }
0x116: {  	s11 =	simm.s32 $0xFFFF0000;
	s1 =	simm.s32 @!p0 $0x201;
	s10 =	sor.u32 s10, s12  }
0x117: {  	s19 =	sadd.s32 $0xFFFFFFF3, s0;
	s29 =	sshrl.u32 s1, $0x1;
	[smem:s22] =	sst s10  }
0x118: {  	s14 =	sadd.s32 s6, s21;
	s1 =	sand.u32 $0x1, s1;
	s10 =	sld [smem:s29+$0x0]  }
0x119: {  	p0 =	slt.u32 s14, $0x200;
	p1 =	seq.s32 s1, $0x0;
	s1 =	sshll.u32 s1, $0x4  }
0x11a: {  	(v2sf) =	vpush v4, $0xA;
	s14 =	simm.s32 @!p0 $0x201;
	p0 =	sne.s32 s21, $0x0;
	s11 =	simm.s32 @!p1 $0xFFFF  }
0x11b: {  	(v2sf) =	vpush v4, $0x5;
	s5 =	sshll.u32 s5, s1;
	s14 =	simm.s32 @!p0 $0x201;
	s10 =	sand.u32 s10, s11  }
0x11c: {  	s13 =	simm.s32 $0xFFFF0000;
	s30 =	sand.u32 $0x1, s14;
	s5 =	sor.u32 s5, s10  }
0x11d: {  	s1 =	spop (v2sf);
	s16 =	sshrl.u32 s14, $0x1;
	[smem:s29] =	sst s5  }
0x11e: {  	p0 =	seq.s32 s30, $0x0;
	s15 =	spop (v2sf);
	s18 =	sld [smem:s16+$0x0]  }
0x11f: {  	s17 =	sshll.u32 s30, $0x4;
	s12 =	sadd.s32 s6, s15;
	s10 =	simm.s32 $0xFFFF0000  }
0x120: {  	p2 =	sne.s32 s15, $0x0;
	p1 =	slt.u32 s12, $0x200;
	s10 =	simm.s32 @!p0 $0xFFFF  }
0x121: {  	s12 =	simm.s32 @!p1 $0x201;
	s5 =	sshll.u32 s19, s17;
	s10 =	sand.u32 s18, s10  }
0x122: {  	s26 =	sadd.s32 $0xFFFFFFF4, s0;
	s12 =	simm.s32 @!p2 $0x201;
	s5 =	sor.u32 s5, s10  }
0x123: {  	s20 =	spop (v2sf);
	(v2sf) =	vpush v4, $0x8;
	s22 =	sshrl.u32 s12, $0x1;
	[smem:s16] =	sst s5  }
0x124: {  	s21 =	sand.u32 $0x1, s12;
	s5 =	sadd.s32 s6, s20;
	s11 =	sld [smem:s22+$0x0]  }
0x125: {  	p1 =	sne.s32 s20, $0x0;
	p0 =	seq.s32 s21, $0x0;
	p2 =	slt.u32 s5, $0x200  }
0x126: {  	s23 =	sshll.u32 s21, $0x4;
	s13 =	simm.s32 @!p0 $0xFFFF;
	s5 =	simm.s32 @!p2 $0x201  }
0x127: {  	(v2sf) =	vpush v4, $0x7;
	s12 =	sshll.u32 s26, s23;
	s5 =	simm.s32 @!p1 $0x201;
	s11 =	sand.u32 s11, s13  }
0x128: {  	s28 =	sadd.s32 $0xFFFFFFF5, s0;
	s29 =	sshrl.u32 s5, $0x1;
	s11 =	sor.u32 s12, s11  }
0x129: {  	s30 =	sand.u32 $0x1, s5;
	s5 =	spop (v2sf);
	[smem:s22] =	sst s11  }
0x12a: {  	s15 =	sshll.u32 s30, $0x4;
	s17 =	spop (v2sf);
	s18 =	sld [smem:s29+$0x0]  }
0x12b: {  	p0 =	seq.s32 s30, $0x0;
	s12 =	simm.s32 $0xFFFF0000;
	s16 =	sadd.s32 s6, s17  }
0x12c: {  	p1 =	sne.s32 s17, $0x0;
	s12 =	simm.s32 @!p0 $0xFFFF;
	p0 =	slt.u32 s16, $0x200  }
0x12d: {  	s10 =	sshll.u32 s28, s15;
	s16 =	simm.s32 @!p0 $0x201;
	s19 =	sand.u32 s12, s18  }
0x12e: {  	s23 =	sadd.s32 $0xFFFFFFF6, s0;
	s16 =	simm.s32 @!p1 $0x201;
	s10 =	sor.u32 s10, s19  }
0x12f: {  	s12 =	sadd.s32 s6, s2;
	s20 =	sshrl.u32 s16, $0x1;
	[smem:s29] =	sst s10  }
0x130: {  	s21 =	sand.u32 $0x1, s16;
	p0 =	slt.u32 s12, $0x200;
	s22 =	sld [smem:s20+$0x0]  }
0x131: {  	s15 =	simm.s32 $0xFFFF0000;
	s12 =	simm.s32 @!p0 $0x201;
	p0 =	seq.s32 s21, $0x0  }
0x132: {  	s26 =	spop (v2sf);
	(v2sf) =	vpush v4, $0x9;
	s10 =	sshll.u32 s21, $0x4;
	s15 =	simm.s32 @!p0 $0xFFFF  }
0x133: {  	p0 =	sne.s32 s2, $0x0;
	s28 =	sshll.u32 s23, s10;
	s29 =	sand.u32 s15, s22  }
0x134: {  	s14 =	simm.s32 $0xFFFF0000;
	s12 =	simm.s32 @!p0 $0x201;
	s2 =	sor.u32 s28, s29  }
0x135: {  	s17 =	sadd.s32 $0xFFFFFFF7, s0;
	s15 =	sshrl.u32 s12, $0x1;
	[smem:s20] =	sst s2  }
0x136: {  	s30 =	spop (v2sf);
	s12 =	sand.u32 $0x1, s12;
	s11 =	sld [smem:s15+$0x0]  }
0x137: {  	p2 =	sne.s32 s30, $0x0;
	p0 =	seq.s32 s12, $0x0;
	s2 =	sadd.s32 s6, s30  }
0x138: {  	s12 =	sshll.u32 s12, $0x4;
	s14 =	simm.s32 @!p0 $0xFFFF;
	p1 =	slt.u32 s2, $0x200  }
0x139: {  	s12 =	sshll.u32 s17, s12;
	s2 =	simm.s32 @!p1 $0x201;
	s11 =	sand.u32 s14, s11  }
0x13a: {  	s2 =	simm.s32 @!p2 $0x201;
	s11 =	sor.u32 s12, s11  }
0x13b: {  	s19 =	sadd.s32 $0xFFFFFFF8, s0;
	s18 =	sshrl.u32 s2, $0x1;
	[smem:s15] =	sst s11  }
0x13c: {  	s2 =	sand.u32 $0x1, s2;
	s14 =	simm.s32 $0xFFFF0000;
	s21 =	sld [smem:s18+$0x0]  }
0x13d: {  	s20 =	sshll.u32 s2, $0x4;
	p0 =	seq.s32 s2, $0x0;
	s2 =	sadd.s32 s6, s26  }
0x13e: {  	p1 =	sne.s32 s26, $0x0;
	s14 =	simm.s32 @!p0 $0xFFFF;
	p0 =	slt.u32 s2, $0x200  }
0x13f: {  	s10 =	sshll.u32 s19, s20;
	s2 =	simm.s32 @!p0 $0x201;
	s22 =	sand.u32 s14, s21  }
0x140: {  	s23 =	sadd.s32 $0xFFFFFFF9, s0;
	s2 =	simm.s32 @!p1 $0x201;
	s10 =	sor.u32 s10, s22  }
0x141: {  	s28 =	spop (v2sf);
	s26 =	sshrl.u32 s2, $0x1;
	[smem:s18] =	sst s10  }
0x142: {  	s15 =	simm.s32 $0xFFFF0000;
	s2 =	sand.u32 $0x1, s2;
	s30 =	sld [smem:s26+$0x0]  }
0x143: {  	s29 =	sshll.u32 s2, $0x4;
	p0 =	seq.s32 s2, $0x0;
	s2 =	sadd.s32 s6, s28  }
0x144: {  	p1 =	sne.s32 s28, $0x0;
	s15 =	simm.s32 @!p0 $0xFFFF;
	p0 =	slt.u32 s2, $0x200  }
0x145: {  	s13 =	sshll.u32 s23, s29;
	s2 =	simm.s32 @!p0 $0x201;
	s14 =	sand.u32 s15, s30  }
0x146: {  	s2 =	simm.s32 @!p1 $0x201;
	s10 =	sor.u32 s13, s14  }
0x147: {  	s16 =	sadd.s32 $0xFFFFFFFA, s0;
	s15 =	sshrl.u32 s2, $0x1;
	[smem:s26] =	sst s10  }
0x148: {  	s12 =	sadd.s32 s6, s5;
	s2 =	sand.u32 $0x1, s2;
	s10 =	sld [smem:s15+$0x0]  }
0x149: {  	p1 =	sne.s32 s5, $0x0;
	s5 =	simm.s32 $0xFFFF0000;
	p2 =	seq.s32 s2, $0x0  }
0x14a: {  	p0 =	slt.u32 s12, $0x200;
	s2 =	sshll.u32 s2, $0x4;
	s5 =	simm.s32 @!p2 $0xFFFF  }
0x14b: {  	s12 =	simm.s32 @!p0 $0x201;
	s2 =	sshll.u32 s16, s2;
	s5 =	sand.u32 s5, s10  }
0x14c: {  	s12 =	simm.s32 @!p1 $0x201;
	s2 =	sor.u32 s2, s5  }
0x14d: {  	s19 =	sadd.s32 $0xFFFFFFFB, s0;
	s18 =	sshrl.u32 s12, $0x1;
	[smem:s15] =	sst s2  }
0x14e: {  	p1 =	sne.s32 s9, $0x0;
	s17 =	sand.u32 $0x1, s12;
	s20 =	sld [smem:s18+$0x0]  }
0x14f: {  	s12 =	simm.s32 $0xFFFF0000;
	p0 =	seq.s32 s17, $0x0;
	s13 =	sadd.s32 s6, s9  }
0x150: {  	s12 =	simm.s32 @!p0 $0xFFFF;
	p0 =	slt.u32 s13, $0x200;
	s5 =	sshll.u32 s17, $0x4  }
0x151: {  	s13 =	simm.s32 @!p0 $0x201;
	s2 =	sshll.u32 s19, s5;
	s21 =	sand.u32 s12, s20  }
0x152: {  	s13 =	simm.s32 @!p1 $0x201;
	s2 =	sor.u32 s2, s21  }
0x153: {  	s22 =	sshrl.u32 s13, $0x1;
	[smem:s18] =	sst s2  }
0x154: {  	s23 =	sadd.s32 $0xFFFFFFFC, s0;
	s26 =	sand.u32 $0x1, s13;
	s10 =	sld [smem:s22+$0x0]  }
0x155: {  	s9 =	simm.s32 $0xFFFF0000;
	p1 =	sne.s32 s8, $0x0;
	p0 =	seq.s32 s26, $0x0  }
0x156: {  	s28 =	sshll.u32 s26, $0x4;
	s9 =	simm.s32 @!p0 $0xFFFF;
	p0 =	slt.u32 s7, $0x200  }
0x157: {  	s7 =	simm.s32 @!p0 $0x201;
	s2 =	sshll.u32 s23, s28;
	s29 =	sand.u32 s9, s10  }
0x158: {  	s7 =	simm.s32 @!p1 $0x201;
	s2 =	sor.u32 s2, s29  }
0x159: {  	s8 =	sadd.s32 s6, s1;
	s30 =	sshrl.u32 s7, $0x1;
	[smem:s22] =	sst s2  }
0x15a: {  	p0 =	slt.u32 s8, $0x200;
	s10 =	sand.u32 $0x1, s7;
	s5 =	sld [smem:s30+$0x0]  }
0x15b: {  	s8 =	simm.s32 @!p0 $0x201;
	s7 =	simm.s32 $0xFFFF0000;
	p0 =	seq.s32 s10, $0x0  }
0x15c: {  	s11 =	sadd.s32 $0xFFFFFFFD, s0;
	s2 =	sshll.u32 s10, $0x4;
	s7 =	simm.s32 @!p0 $0xFFFF  }
0x15d: {  	p0 =	sne.s32 s1, $0x0;
	s12 =	sshll.u32 s11, s2;
	s13 =	sand.u32 s7, s5  }
0x15e: {  	s8 =	simm.s32 @!p0 $0x201;
	s1 =	sor.u32 s12, s13  }
0x15f: {  	s14 =	sshrl.u32 s8, $0x1;
	[smem:s30] =	sst s1  }
0x160: {  	s17 =	sadd.s32 $0xFFFFFFFE, s0;
	s15 =	sand.u32 $0x1, s8;
	s16 =	sld [smem:s14+$0x0]  }
0x161: {  	p1 =	sne.s32 s25, $0x0;
	p2 =	seq.s32 s15, $0x0;
	s7 =	simm.s32 $0xFFFF0000  }
0x162: {  	p0 =	slt.u32 s3, $0x200;
	s7 =	simm.s32 @!p2 $0xFFFF;
	s1 =	sshll.u32 s15, $0x4  }
0x163: {  	s3 =	simm.s32 @!p0 $0x201;
	s1 =	sshll.u32 s17, s1;
	s5 =	sand.u32 s7, s16  }
0x164: {  	s3 =	simm.s32 @!p1 $0x201;
	s1 =	sor.u32 s1, s5  }
0x165: {  	s18 =	sand.u32 $0x1, s3;
	s3 =	sshrl.u32 s3, $0x1;
	[smem:s14] =	sst s1  }
0x166: {  	s19 =	sadd.s32 $0xFFFFFFFF, s0;
	p0 =	seq.s32 s18, $0x0;
	s2 =	sld [smem:s3+$0x0]  }
0x167: {  	p2 =	sne.s32 s24, $0x0;
	s1 =	sadd.s32 s6, s24;
	s6 =	simm.s32 $0xFFFF0000  }
0x168: {  	s5 =	sshll.u32 s18, $0x4;
	p1 =	slt.u32 s1, $0x200;
	s6 =	simm.s32 @!p0 $0xFFFF  }
0x169: {  	s5 =	sshll.u32 s19, s5;
	s1 =	simm.s32 @!p1 $0x201;
	s2 =	sand.u32 s6, s2  }
0x16a: {  	s1 =	simm.s32 @!p2 $0x201;
	s2 =	sor.u32 s5, s2  }
0x16b: {  	s20 =	sshrl.u32 s1, $0x1;
	[smem:s3] =	sst s2  }
0x16c: {  	s1 =	sand.u32 $0x1, s1;
	s2 =	sld [smem:s20+$0x0]  }
0x16d: {  	p0 =	seq.s32 s1, $0x0;
	s3 =	simm.s32 $0xFFFF0000  }
0x16e: {  	s1 =	sshll.u32 s1, $0x4;
	s3 =	simm.s32 @!p0 $0xFFFF  }
0x16f: {  	s21 =	sshll.u32 s0, s1;
	s22 =	sand.u32 s3, s2  }
0x170: {  	s23 =	simm.s32 $0x0;
	s0 =	sor.u32 s21, s22  }
0x171: {  	s24 =	sand.u32 $0xFF, s23;
	[smem:s20] =	sst s0  }
0x172: {  	s1 =	sld [smem:s24+$0x0];
	_ =	sdelay $0x1  }
0x173: {  	s25 =	sand.u32 $0x10, s31  }
0x174: {  	s28 =	simm.s32 $0x0;
	s1 =	sshrl.u32 s1, s25  }
0x175: {  	s26 =	sand.u32 $0xF, s31;
	s5 =	sand.u32 $0xFF, s28;
	s1 =	sand.u32 $0xFFFF, s1  }
0x176: {  	s3 =	sor.u32 $0x200, s26;
	s2 =	simm.s32 $0x2;
	s29 =	sshll.u32 s1, $0x9  }
0x177: {  	s0 =	simm.s32 $0x1;
	p1 =	sne.s32 s1, $0x0;
	s30 =	sadd.s32 $0x0, s29  }
0x178: {  	s1 =	simm.s32 $0x0;
	s3 =	smov.u32 @p1 s31;
	s6 =	sadd.s32 $0xFFFFFE00, s30  }
.LBB2_6:
0x179: {  	[smem:s3+$0x110] =	sst s6;
	s3 =	simm.s32 $0x1  }
0x17a: {  	p0 =	sne.s32 s2, $0x1FF;
	s3 =	simm.s32 @!p1 $0x0  }
0x17b: {  	s6 =	smov.u32 s0;
	s5 =	sld [smem:s5+$0x0];
	s31 =	sadd.s32 s3, s31  }
0x17c: {  	s1 =	sadd.s32 $0x10, s1;
	s0 =	smov.u32 s2  }
0x17d: {  	s3 =	sand.u32 $0x10, s1  }
.Ltmp4:
0x17e: {  	s3 =	sshrl.u32 s5, s3;
	(pc) =	sbr.rel @p0 .LBB2_6-.Ltmp4, $4  }
0x17f: {  	s7 =	sand.u32 $0xFFFF, s3;
	s3 =	sand.u32 $0xF, s6  }
0x180: {  	s5 =	sshrl.u32 s2, $0x1;
	s3 =	sor.u32 $0x200, s3;
	s8 =	sshll.u32 s7, $0x9  }
0x181: {  	s5 =	sand.u32 $0xFF, s5;
	p1 =	sne.s32 s7, $0x0;
	s6 =	sadd.s32 s8, s6  }
0x182: {  	s2 =	sadd.s32 $0x1, s2;
	s3 =	smov.u32 @p1 s31;
	s6 =	sadd.s32 $0xFFFFFE00, s6  }
0x183: {  	[smem:s3+$0x110] =	sst s6  }
0x184: {  	s20 =	rddreg [dreg:$0x5]  }
0x185: {  	s11 =	rddreg [dreg:$0xb]  }
0x186: {  	s9 =	rddreg [dreg:$0xc]  }
0x187: {  	s2 =	sld [smem:s5+$0x0]  }
0x188: {  	s1 =	sadd.s32 $0x10, s1;
	s12 =	rddreg [dreg:$0xd]  }
0x189: {  	s13 =	rddreg [dreg:$0xe];
	s1 =	sand.u32 $0x10, s1  }
0x18a: {  	s3 =	simm.s32 $0x1;
	s14 =	rddreg [dreg:$0xf];
	s1 =	sshrl.u32 s2, s1  }
0x18b: {  	s15 =	rddreg [dreg:$0x10];
	s3 =	simm.s32 @!p1 $0x0;
	s1 =	sand.u32 $0xFFFF, s1  }
0x18c: {  	s2 =	sadd.s32 s3, s31;
	s3 =	simm.s32 $0x1;
	p0 =	sne.s32 s1, $0x0  }
0x18d: {  	s28 =	sand.u32 $0xF, s0;
	s16 =	rddreg [dreg:$0x11];
	s3 =	simm.s32 @!p0 $0x0  }
0x18e: {  	s17 =	rddreg [dreg:$0x12];
	s5 =	sor.u32 $0x200, s28;
	s6 =	sadd.s32 s3, s2  }
0x18f: {  	s19 =	rddreg [dreg:$0x13];
	s5 =	smov.u32 @p0 s2;
	p0 =	sgt.s32 s6, $0x0  }
.Ltmp5:
0x190: {  	s21 =	rddreg [dreg:$0x14];
	(pc) =	sbr.rel @!p0 .LBB2_8-.Ltmp5, $4  }
0x191: {  	s22 =	rddreg [dreg:$0x15];
	s1 =	sshll.u32 s1, $0x9  }
0x192: {  	s23 =	rddreg [dreg:$0x16];
	s30 =	sadd.s32 s1, s0  }
0x193: {  	s31 =	rddreg [dreg:$0x17];
	s0 =	sadd.s32 $0xFFFFFE00, s30  }
0x194: {  	s29 =	simm.s32 $0x3;
	[smem:s5+$0x110] =	sst s0;
	s0 =	sadd.s32 $0xF, s6  }
0x195: {  	s0 =	sadd.s32 $0xF, s6  }
0x196: {  	s1 =	sshra.s32 s0, $0x1F  }
0x197: {  	s1 =	sshrl.u32 s1, $0x1C  }
0x198: {  	s1 =	sadd.s32 s1, s0  }
0x199: {  	s5 =	sand.u32 $0xFFFFFFF0, s1  }
0x19a: {  	p0 =	sge.s32 s6, s5  }
.Ltmp6:
0x19b: {  	_ = 	snop;
	(pc) =	sbr.rel @p0 .LBB2_10-.Ltmp6, $2  }
0x19c: {  	_ =	sdelay $0x2  }
0x19d: {  	s8 =	rddreg [dreg:$0x3];
	s18 =	simm.s32 $0x3800;
	s26 =	sshra.s32 s1, $0x4  }
0x19e: {  	s3 =	sadd.s32 s3, s2  }
0x19f: {  	s3 =	sshll.u32 s3, $0x2  }
0x1a0: {  	s7 =	sshra.s32 s3, $0x2;
	s3 =	sadd.s32 $0x1, s6  }
0x1a1: {  	p0 =	slt.s32 s3, s5  }
.Ltmp7:
0x1a2: {  	_ = 	snop;
	(pc) =	sbr.rel @!p0 .LBB2_13-.Ltmp7, $3  }
0x1a3: {  	s2 =	sld [smem:$0x110];
	_ =	sdelay $0x1  }
0x1a4: {  	s6 =	sadd.s32 $0x110, s7  }
0x1a5: {  	[smem:s6] =	sst s2  }
.LBB2_12:
0x1a6: {  	s3 =	sadd.s32 $0x1, s3  }
0x1a7: {  	p0 =	slt.s32 s3, s5  }
.Ltmp8:
0x1a8: {  	_ = 	snop;
	(pc) =	sbr.rel @p0 .LBB2_12-.Ltmp8, $3  }
0x1a9: {  	_ =	sdelay $0x1  }
0x1aa: {  	s6 =	sadd.s32 $0x1, s6  }
0x1ab: {  	[smem:s6] =	sst s2  }
.LBB2_13:
.Ltmp9:
0x1ac: {  	(pc) =	sbr.rel .LBB2_14-.Ltmp9, $2  }
0x1ad: {  	_ =	sdelay $0x2  }
0x1ae: {  	s7 =	rddreg [dreg:$0x1]  }
.LBB2_8:
.Ltmp10:
0x1af: {  	(pc) =	sbr.rel .LBB2_14-.Ltmp10, $4  }
0x1b0: {  	s1 =	sshra.s32 s0, $0x1F  }
0x1b1: {  	s1 =	sshrl.u32 s1, $0x1C  }
0x1b2: {  	s7 =	rddreg [dreg:$0x1];
	s1 =	sadd.s32 s1, s0  }
0x1b3: {  	s8 =	rddreg [dreg:$0x3];
	s18 =	simm.s32 $0x3800;
	s26 =	sshra.s32 s1, $0x4  }
.LBB2_10:
0x1b4: {  	s7 =	rddreg [dreg:$0x1]  }
.LBB2_14:
0x1b5: {  	p0 =	slt.s32 s0, $0x10  }
.Ltmp11:
0x1b6: {  	_ = 	snop;
	(pc) =	sbr.rel @p0 .LBB2_18-.Ltmp11, $4  }
0x1b7: {  	s2 =	simm.s32 $0x1  }
0x1b8: {  	_ =	swait.ge [sflag:s2], $0x20000  }
0x1b9: {  	[sflag:s2] =	ssyncset.done $0x0  }
0x1ba: {  	s0 =	simm.s32 $0x11F;
	[sflag:s2] =	ssyncadd.s32 $0xFFFE0000;
	s2 =	rddreg [dreg:$0x19]  }
0x1bb: {  	s2 =	sld [smem:s0+$0x0]  }
0x1bc: {  	s3 =	sld [smem:s0+$0xFFFFFFF1]  }
0x1bd: {  	s5 =	sld [smem:s0+$0xFFFFFFF2]  }
0x1be: {  	s25 =	sld [smem:s0+$0xFFFFFFF3];
	v4 =	vmov s2  }
0x1bf: {  	s28 =	sld [smem:s0+$0xFFFFFFF4];
	v4 =	vsel vm0, s3, v4  }
0x1c0: {  	s30 =	sld [smem:s0+$0xFFFFFFF5];
	v4 =	vsel vm1, s5, v4  }
0x1c1: {  	s1 =	sld [smem:s0+$0xFFFFFFF6];
	v4 =	vsel vm2, s25, v4  }
0x1c2: {  	s6 =	sld [smem:s0+$0xFFFFFFF7];
	v4 =	vsel vm3, s28, v4  }
0x1c3: {  	s10 =	sld [smem:s0+$0xFFFFFFF8];
	v4 =	vsel vm4, s30, v4  }
0x1c4: {  	s24 =	sld [smem:s0+$0xFFFFFFF9];
	v4 =	vsel vm5, s1, v4  }
0x1c5: {  	s25 =	sld [smem:s0+$0xFFFFFFFA];
	v4 =	vsel vm6, s6, v4  }
0x1c6: {  	s28 =	sld [smem:s0+$0xFFFFFFFB];
	v4 =	vsel vm7, s10, v4  }
0x1c7: {  	s30 =	sld [smem:s0+$0xFFFFFFFC];
	v4 =	vsel vm8, s24, v4  }
0x1c8: {  	s1 =	sld [smem:s0+$0xFFFFFFFD];
	v4 =	vsel vm9, s25, v4  }
0x1c9: {  	s6 =	sld [smem:s0+$0xFFFFFFFE];
	v4 =	vsel vm10, s28, v4  }
0x1ca: {  	s10 =	sld [smem:s0+$0xFFFFFFFF];
	v4 =	vsel vm11, s30, v4  }
0x1cb: {  	v4 =	vsel vm12, s1, v4  }
0x1cc: {  	v4 =	vsel vm13, s6, v4  }
0x1cd: {  	v4 =	vsel vm14, s10, v4  }
0x1ce: {  	v5 =	vshrl.u32 v4, $0x9;
	v6 =	vshrl.u32 v4, $0x5  }
0x1cf: {  	v5 =	vand.u32 $0x7, v5;
	v6 =	vand.u32 $0x7FFFF80, v6  }
0x1d0: {  	v5 =	vor.u32 v5, v6  }
0x1d1: {  	v6 =	vperm.xlane v5, v1;
	_ =	sdelay $0x1  }
0x1d2: {  	v6 =	vadd.s32 v2, v6;
	_ =	sdelay $0x3  }
0x1d3: {  	s25 =	simm.s32 $0x1000  }
0x1d4: {  	[tilespmem:s25], [sflag:$0x2] =	stream.indirect_vreg.gather [hbm4b:s7+s4], $0x80, v6, vm15, $0xb8;
	[tilespmem:$0x9000] =	vst v63  }
0x1d5: {  	s28 =	simm.s32 $0x1800  }
0x1d6: {  	[tilespmem:s28], [sflag:$0x2] =	stream.indirect_vreg.gather [hbm4b:s20+s4], $0x80, v6, vm15, $0xb8;
	[tilespmem:$0x9000] =	vst v63  }
0x1d7: {  	s24 =	simm.s32 $0x2000  }
0x1d8: {  	[tilespmem:s24], [sflag:$0x2] =	stream.indirect_vreg.gather [hbm4b:s11+s4], $0x80, v6, vm15, $0xb8;
	[tilespmem:$0x9000] =	vst v63  }
0x1d9: {  	s6 =	simm.s32 $0x2800  }
0x1da: {  	[tilespmem:s6], [sflag:$0x2] =	stream.indirect_vreg.gather [hbm4b:s9+s4], $0x80, v6, vm15, $0xb8;
	[tilespmem:$0x9000] =	vst v63  }
0x1db: {  	s3 =	simm.s32 $0x3000  }
0x1dc: {  	[tilespmem:s3], [sflag:$0x2] =	stream.indirect_vreg.gather [hbm4b:s12+s4], $0x80, v6, vm15, $0xb8;
	[tilespmem:$0x9000] =	vst v63  }
0x1dd: {  	v5 =	vperm.xlane v5, v3  }
0x1de: {  	[tilespmem:s18], [sflag:$0x2] =	stream.indirect_vreg.gather [hbm4b:s13+s4], $0x80, v6, vm15, $0xb8;
	[tilespmem:$0x9000] =	vst v63  }
0x1df: {  	s2 =	simm.s32 $0x4000;
	v5 =	vadd.s32 v2, v5  }
0x1e0: {  	[tilespmem:s2], [sflag:$0x2] =	stream.indirect_vreg.gather [hbm4b:s14+s4], $0x80, v6, vm15, $0xb8;
	[tilespmem:$0x9000] =	vst v63  }
0x1e1: {  	s30 =	simm.s32 $0x4800  }
0x1e2: {  	[tilespmem:s30], [sflag:$0x2] =	stream.indirect_vreg.gather [hbm4b:s15+s4], $0x80, v6, vm15, $0xb8;
	[tilespmem:$0x9000] =	vst v63  }
0x1e3: {  	s5 =	simm.s32 $0x5000  }
0x1e4: {  	[tilespmem:s5], [sflag:$0x2] =	stream.indirect_vreg.gather [hbm4b:s7+s4], $0x80, v5, vm15, $0xb8;
	[tilespmem:$0x9000] =	vst v63  }
0x1e5: {  	s5 =	simm.s32 $0x5800  }
0x1e6: {  	[tilespmem:s5], [sflag:$0x2] =	stream.indirect_vreg.gather [hbm4b:s20+s4], $0x80, v5, vm15, $0xb8;
	[tilespmem:$0x9000] =	vst v63  }
0x1e7: {  	s10 =	simm.s32 $0x6000  }
0x1e8: {  	[tilespmem:s10], [sflag:$0x2] =	stream.indirect_vreg.gather [hbm4b:s11+s4], $0x80, v5, vm15, $0xb8;
	[tilespmem:$0x9000] =	vst v63  }
0x1e9: {  	s20 =	simm.s32 $0x6800  }
0x1ea: {  	[tilespmem:s20], [sflag:$0x2] =	stream.indirect_vreg.gather [hbm4b:s9+s4], $0x80, v5, vm15, $0xb8;
	[tilespmem:$0x9000] =	vst v63  }
0x1eb: {  	v63 =	vand.u32 $0x1F8, v4;
	s10 =	simm.s32 $0x7000  }
0x1ec: {  	v6 =	vor.u32 v0, v63;
	[tilespmem:s10], [sflag:$0x2] =	stream.indirect_vreg.gather [hbm4b:s12+s4], $0x80, v5, vm15, $0xb8;
	[tilespmem:$0x9000] =	vst v63  }
0x1ed: {  	v4 =	vand.u32 $0x7, v4;
	v6 =	vshll.u32 v6, $0x4;
	s20 =	simm.s32 $0x7800  }
0x1ee: {  	v4 =	vor.u32 v4, v6;
	[tilespmem:s20], [sflag:$0x2] =	stream.indirect_vreg.gather [hbm4b:s13+s4], $0x80, v5, vm15, $0xb8;
	[tilespmem:$0x9000] =	vst v63  }
0x1ef: {  	v6 =	vperm.xlane v4, v1;
	s20 =	simm.s32 $0x8000  }
0x1f0: {  	[tilespmem:s20], [sflag:$0x2] =	stream.indirect_vreg.gather [hbm4b:s14+s4], $0x80, v5, vm15, $0xb8;
	[tilespmem:$0x9000] =	vst v63  }
0x1f1: {  	s1 =	simm.s32 $0x2;
	s5 =	simm.s32 $0x8800;
	v6 =	vadd.s32 v2, v6  }
0x1f2: {  	[tilespmem:s5], [sflag:$0x2] =	stream.indirect_vreg.gather [hbm4b:s15+s4], $0x80, v5, vm15, $0xb8;
	[tilespmem:$0x9000] =	vst v63  }
0x1f3: {  	_ =	swait.ge [sflag:s1], $0x8000  }
0x1f4: {  	[sflag:s1] =	ssyncset.done $0x0  }
0x1f5: {  	[sflag:s1] =	ssyncadd.s32 $0xFFFF8000  }
0x1f6: {  	[hbm4b:s8+s4] =	stream.indirect_vreg.scatter [tilespmem:s25], [sflag:$0x3], $0x80, v6, vm15, $0xb8;
	[tilespmem:$0x9000] =	vst v63  }
0x1f7: {  	_ = 	snop  }
0x1f8: {  	[hbm4b:s16+s4] =	stream.indirect_vreg.scatter [tilespmem:s28], [sflag:$0x3], $0x80, v6, vm15, $0xb8;
	[tilespmem:$0x9000] =	vst v63  }
0x1f9: {  	_ = 	snop  }
0x1fa: {  	[hbm4b:s17+s4] =	stream.indirect_vreg.scatter [tilespmem:s24], [sflag:$0x3], $0x80, v6, vm15, $0xb8;
	[tilespmem:$0x9000] =	vst v63  }
0x1fb: {  	_ = 	snop  }
0x1fc: {  	[hbm4b:s19+s4] =	stream.indirect_vreg.scatter [tilespmem:s6], [sflag:$0x3], $0x80, v6, vm15, $0xb8;
	[tilespmem:$0x9000] =	vst v63  }
0x1fd: {  	_ = 	snop  }
0x1fe: {  	[hbm4b:s21+s4] =	stream.indirect_vreg.scatter [tilespmem:s3], [sflag:$0x3], $0x80, v6, vm15, $0xb8;
	[tilespmem:$0x9000] =	vst v63  }
0x1ff: {  	v4 =	vperm.xlane v4, v3  }
0x200: {  	[hbm4b:s22+s4] =	stream.indirect_vreg.scatter [tilespmem:s18], [sflag:$0x3], $0x80, v6, vm15, $0xb8;
	[tilespmem:$0x9000] =	vst v63  }
0x201: {  	v4 =	vadd.s32 v2, v4  }
0x202: {  	[hbm4b:s23+s4] =	stream.indirect_vreg.scatter [tilespmem:s2], [sflag:$0x3], $0x80, v6, vm15, $0xb8;
	[tilespmem:$0x9000] =	vst v63  }
0x203: {  	s30 =	simm.s32 $0x4800  }
0x204: {  	[hbm4b:s31+s4] =	stream.indirect_vreg.scatter [tilespmem:s30], [sflag:$0x3], $0x80, v6, vm15, $0xb8;
	[tilespmem:$0x9000] =	vst v63  }
0x205: {  	s18 =	simm.s32 $0x5000  }
0x206: {  	[hbm4b:s8+s4] =	stream.indirect_vreg.scatter [tilespmem:s18], [sflag:$0x3], $0x80, v4, vm15, $0xb8;
	[tilespmem:$0x9000] =	vst v63  }
0x207: {  	s6 =	simm.s32 $0x5800  }
0x208: {  	[hbm4b:s16+s4] =	stream.indirect_vreg.scatter [tilespmem:s6], [sflag:$0x3], $0x80, v4, vm15, $0xb8;
	[tilespmem:$0x9000] =	vst v63  }
0x209: {  	s25 =	simm.s32 $0x6000  }
0x20a: {  	[hbm4b:s17+s4] =	stream.indirect_vreg.scatter [tilespmem:s25], [sflag:$0x3], $0x80, v4, vm15, $0xb8;
	[tilespmem:$0x9000] =	vst v63  }
0x20b: {  	s24 =	simm.s32 $0x6800  }
0x20c: {  	[hbm4b:s19+s4] =	stream.indirect_vreg.scatter [tilespmem:s24], [sflag:$0x3], $0x80, v4, vm15, $0xb8;
	[tilespmem:$0x9000] =	vst v63  }
0x20d: {  	s10 =	simm.s32 $0x7000  }
0x20e: {  	[hbm4b:s21+s4] =	stream.indirect_vreg.scatter [tilespmem:s10], [sflag:$0x3], $0x80, v4, vm15, $0xb8;
	[tilespmem:$0x9000] =	vst v63  }
0x20f: {  	s28 =	simm.s32 $0x7800  }
0x210: {  	[hbm4b:s22+s4] =	stream.indirect_vreg.scatter [tilespmem:s28], [sflag:$0x3], $0x80, v4, vm15, $0xb8;
	[tilespmem:$0x9000] =	vst v63  }
0x211: {  	p0 =	sne.s32 s26, $0x1;
	s1 =	sadd.s32 $0xFFFFFFFF, s26  }
0x212: {  	[hbm4b:s23+s4] =	stream.indirect_vreg.scatter [tilespmem:s20], [sflag:$0x3], $0x80, v4, vm15, $0xb8;
	[tilespmem:$0x9000] =	vst v63  }
.Ltmp12:
0x213: {  	s30 =	simm.s32 $0x8800;
	s10 =	smov.u32 s19;
	(pc) =	sbr.rel @!p0 .LBB2_17-.Ltmp12, $4  }
0x214: {  	s19 =	smov.u32 s17;
	s17 =	smov.u32 s16;
	s16 =	smov.u32 s15  }
0x215: {  	[hbm4b:s31+s4] =	stream.indirect_vreg.scatter [tilespmem:s30], [sflag:$0x3], $0x80, v4, vm15, $0xb8;
	[tilespmem:$0x9000] =	vst v63  }
0x216: {  	s15 =	smov.u32 s14;
	s14 =	smov.u32 s13;
	_ =	swait.ge [sflag:s29], $0x8000  }
0x217: {  	s13 =	smov.u32 s12;
	s12 =	smov.u32 s9;
	[sflag:s29] =	ssyncset.done $0x0  }
.LBB2_16:
0x218: {  	[sflag:s29] =	ssyncadd.s32 $0xFFFF8000;
	s0 =	sadd.s32 $0x10, s0  }
0x219: {  	s2 =	sld [smem:s0+$0x0]  }
0x21a: {  	s3 =	sld [smem:s0+$0xFFFFFFF1]  }
0x21b: {  	s5 =	sld [smem:s0+$0xFFFFFFF2]  }
0x21c: {  	s6 =	sld [smem:s0+$0xFFFFFFF3];
	v4 =	vmov s2  }
0x21d: {  	s9 =	sld [smem:s0+$0xFFFFFFF4];
	v4 =	vsel vm0, s3, v4  }
0x21e: {  	s18 =	sld [smem:s0+$0xFFFFFFF5];
	v4 =	vsel vm1, s5, v4  }
0x21f: {  	s20 =	sld [smem:s0+$0xFFFFFFF6];
	v4 =	vsel vm2, s6, v4  }
0x220: {  	s24 =	sld [smem:s0+$0xFFFFFFF7];
	v4 =	vsel vm3, s9, v4  }
0x221: {  	s30 =	sld [smem:s0+$0xFFFFFFF8];
	v4 =	vsel vm4, s18, v4  }
0x222: {  	s9 =	sld [smem:s0+$0xFFFFFFF9];
	v4 =	vsel vm5, s20, v4  }
0x223: {  	s18 =	sld [smem:s0+$0xFFFFFFFA];
	v4 =	vsel vm6, s24, v4  }
0x224: {  	s20 =	sld [smem:s0+$0xFFFFFFFB];
	v4 =	vsel vm7, s30, v4  }
0x225: {  	s24 =	sld [smem:s0+$0xFFFFFFFC];
	v4 =	vsel vm8, s9, v4  }
0x226: {  	s30 =	sld [smem:s0+$0xFFFFFFFD];
	v4 =	vsel vm9, s18, v4  }
0x227: {  	s9 =	sld [smem:s0+$0xFFFFFFFE];
	v4 =	vsel vm10, s20, v4  }
0x228: {  	s18 =	sld [smem:s0+$0xFFFFFFFF];
	v4 =	vsel vm11, s24, v4  }
0x229: {  	v4 =	vsel vm12, s30, v4  }
0x22a: {  	v4 =	vsel vm13, s9, v4  }
0x22b: {  	v4 =	vsel vm14, s18, v4  }
0x22c: {  	v5 =	vshrl.u32 v4, $0x9;
	v7 =	vshrl.u32 v4, $0x5  }
0x22d: {  	v5 =	vand.u32 $0x7, v5;
	v7 =	vand.u32 $0x7FFFF80, v7  }
0x22e: {  	v5 =	vor.u32 v5, v7  }
0x22f: {  	v7 =	vperm.xlane v5, v1;
	_ =	sdelay $0x1  }
0x230: {  	v7 =	vadd.s32 v2, v7;
	_ =	sdelay $0x3  }
0x231: {  	s29 =	simm.s32 $0x1000  }
0x232: {  	[tilespmem:s29], [sflag:$0x2] =	stream.indirect_vreg.gather [hbm4b:s7+s4], $0x80, v7, vm15, $0xb8;
	[tilespmem:$0x9000] =	vst v63  }
0x233: {  	s6 =	rddreg [dreg:$0x5];
	s30 =	simm.s32 $0x1800  }
0x234: {  	[tilespmem:s30], [sflag:$0x2] =	stream.indirect_vreg.gather [hbm4b:s6+s4], $0x80, v7, vm15, $0xb8;
	[tilespmem:$0x9000] =	vst v63  }
0x235: {  	s20 =	simm.s32 $0x2000  }
0x236: {  	[tilespmem:s20], [sflag:$0x2] =	stream.indirect_vreg.gather [hbm4b:s11+s4], $0x80, v7, vm15, $0xb8;
	[tilespmem:$0x9000] =	vst v63  }
0x237: {  	s9 =	simm.s32 $0x2800  }
0x238: {  	[tilespmem:s9], [sflag:$0x2] =	stream.indirect_vreg.gather [hbm4b:s12+s4], $0x80, v7, vm15, $0xb8;
	[tilespmem:$0x9000] =	vst v63  }
0x239: {  	s24 =	simm.s32 $0x3000  }
0x23a: {  	[tilespmem:s24], [sflag:$0x2] =	stream.indirect_vreg.gather [hbm4b:s13+s4], $0x80, v7, vm15, $0xb8;
	[tilespmem:$0x9000] =	vst v63  }
0x23b: {  	s18 =	simm.s32 $0x3800;
	v5 =	vperm.xlane v5, v3  }
0x23c: {  	[tilespmem:s18], [sflag:$0x2] =	stream.indirect_vreg.gather [hbm4b:s14+s4], $0x80, v7, vm15, $0xb8;
	[tilespmem:$0x9000] =	vst v63  }
0x23d: {  	s2 =	simm.s32 $0x4000;
	v5 =	vadd.s32 v2, v5  }
0x23e: {  	[tilespmem:s2], [sflag:$0x2] =	stream.indirect_vreg.gather [hbm4b:s15+s4], $0x80, v7, vm15, $0xb8;
	[tilespmem:$0x9000] =	vst v63  }
0x23f: {  	s3 =	simm.s32 $0x4800  }
0x240: {  	[tilespmem:s3], [sflag:$0x2] =	stream.indirect_vreg.gather [hbm4b:s16+s4], $0x80, v7, vm15, $0xb8;
	[tilespmem:$0x9000] =	vst v63  }
0x241: {  	s5 =	simm.s32 $0x5000  }
0x242: {  	[tilespmem:s5], [sflag:$0x2] =	stream.indirect_vreg.gather [hbm4b:s7+s4], $0x80, v5, vm15, $0xb8;
	[tilespmem:$0x9000] =	vst v63  }
0x243: {  	s25 =	simm.s32 $0x5800  }
0x244: {  	[tilespmem:s25], [sflag:$0x2] =	stream.indirect_vreg.gather [hbm4b:s6+s4], $0x80, v5, vm15, $0xb8;
	[tilespmem:$0x9000] =	vst v63  }
0x245: {  	s6 =	simm.s32 $0x6000  }
0x246: {  	[tilespmem:s6], [sflag:$0x2] =	stream.indirect_vreg.gather [hbm4b:s11+s4], $0x80, v5, vm15, $0xb8;
	[tilespmem:$0x9000] =	vst v63  }
0x247: {  	s26 =	simm.s32 $0x6800  }
0x248: {  	[tilespmem:s26], [sflag:$0x2] =	stream.indirect_vreg.gather [hbm4b:s12+s4], $0x80, v5, vm15, $0xb8;
	[tilespmem:$0x9000] =	vst v63  }
0x249: {  	s25 =	simm.s32 $0x7000  }
0x24a: {  	v6 =	vand.u32 $0x1F8, v4;
	[tilespmem:s25], [sflag:$0x2] =	stream.indirect_vreg.gather [hbm4b:s13+s4], $0x80, v5, vm15, $0xb8;
	[tilespmem:$0x9000] =	vst v63  }
0x24b: {  	s28 =	simm.s32 $0x7800;
	v6 =	vor.u32 v0, v6  }
0x24c: {  	v4 =	vand.u32 $0x7, v4;
	v6 =	vshll.u32 v6, $0x4;
	[tilespmem:s28], [sflag:$0x2] =	stream.indirect_vreg.gather [hbm4b:s14+s4], $0x80, v5, vm15, $0xb8;
	[tilespmem:$0x9000] =	vst v63  }
0x24d: {  	v4 =	vor.u32 v4, v6;
	s26 =	simm.s32 $0x8000  }
0x24e: {  	v6 =	vperm.xlane v4, v1;
	[tilespmem:s26], [sflag:$0x2] =	stream.indirect_vreg.gather [hbm4b:s15+s4], $0x80, v5, vm15, $0xb8;
	[tilespmem:$0x9000] =	vst v63  }
0x24f: {  	s28 =	simm.s32 $0x8800  }
0x250: {  	v6 =	vadd.s32 v2, v6;
	[tilespmem:s28], [sflag:$0x2] =	stream.indirect_vreg.gather [hbm4b:s16+s4], $0x80, v5, vm15, $0xb8;
	[tilespmem:$0x9000] =	vst v63  }
0x251: {  	s28 =	simm.s32 $0x2  }
0x252: {  	_ =	swait.ge [sflag:s28], $0x8000  }
0x253: {  	[sflag:s28] =	ssyncset.done $0x0  }
0x254: {  	[sflag:s28] =	ssyncadd.s32 $0xFFFF8000  }
0x255: {  	[hbm4b:s8+s4] =	stream.indirect_vreg.scatter [tilespmem:s29], [sflag:$0x3], $0x80, v6, vm15, $0xb8;
	[tilespmem:$0x9000] =	vst v63  }
0x256: {  	_ = 	snop  }
0x257: {  	[hbm4b:s17+s4] =	stream.indirect_vreg.scatter [tilespmem:s30], [sflag:$0x3], $0x80, v6, vm15, $0xb8;
	[tilespmem:$0x9000] =	vst v63  }
0x258: {  	_ = 	snop  }
0x259: {  	[hbm4b:s19+s4] =	stream.indirect_vreg.scatter [tilespmem:s20], [sflag:$0x3], $0x80, v6, vm15, $0xb8;
	[tilespmem:$0x9000] =	vst v63  }
0x25a: {  	_ = 	snop  }
0x25b: {  	[hbm4b:s10+s4] =	stream.indirect_vreg.scatter [tilespmem:s9], [sflag:$0x3], $0x80, v6, vm15, $0xb8;
	[tilespmem:$0x9000] =	vst v63  }
0x25c: {  	_ = 	snop  }
0x25d: {  	[hbm4b:s21+s4] =	stream.indirect_vreg.scatter [tilespmem:s24], [sflag:$0x3], $0x80, v6, vm15, $0xb8;
	[tilespmem:$0x9000] =	vst v63  }
0x25e: {  	v4 =	vperm.xlane v4, v3  }
0x25f: {  	[hbm4b:s22+s4] =	stream.indirect_vreg.scatter [tilespmem:s18], [sflag:$0x3], $0x80, v6, vm15, $0xb8;
	[tilespmem:$0x9000] =	vst v63  }
0x260: {  	v4 =	vadd.s32 v2, v4  }
0x261: {  	[hbm4b:s23+s4] =	stream.indirect_vreg.scatter [tilespmem:s2], [sflag:$0x3], $0x80, v6, vm15, $0xb8;
	[tilespmem:$0x9000] =	vst v63  }
0x262: {  	_ = 	snop  }
0x263: {  	[hbm4b:s31+s4] =	stream.indirect_vreg.scatter [tilespmem:s3], [sflag:$0x3], $0x80, v6, vm15, $0xb8;
	[tilespmem:$0x9000] =	vst v63  }
0x264: {  	_ = 	snop  }
0x265: {  	[hbm4b:s8+s4] =	stream.indirect_vreg.scatter [tilespmem:s5], [sflag:$0x3], $0x80, v4, vm15, $0xb8;
	[tilespmem:$0x9000] =	vst v63  }
0x266: {  	s20 =	simm.s32 $0x5800  }
0x267: {  	[hbm4b:s17+s4] =	stream.indirect_vreg.scatter [tilespmem:s20], [sflag:$0x3], $0x80, v4, vm15, $0xb8;
	[tilespmem:$0x9000] =	vst v63  }
0x268: {  	_ = 	snop  }
0x269: {  	[hbm4b:s19+s4] =	stream.indirect_vreg.scatter [tilespmem:s6], [sflag:$0x3], $0x80, v4, vm15, $0xb8;
	[tilespmem:$0x9000] =	vst v63  }
0x26a: {  	s24 =	simm.s32 $0x6800  }
0x26b: {  	[hbm4b:s10+s4] =	stream.indirect_vreg.scatter [tilespmem:s24], [sflag:$0x3], $0x80, v4, vm15, $0xb8;
	[tilespmem:$0x9000] =	vst v63  }
0x26c: {  	_ = 	snop  }
0x26d: {  	[hbm4b:s21+s4] =	stream.indirect_vreg.scatter [tilespmem:s25], [sflag:$0x3], $0x80, v4, vm15, $0xb8;
	[tilespmem:$0x9000] =	vst v63  }
0x26e: {  	s28 =	simm.s32 $0x7800  }
0x26f: {  	[hbm4b:s22+s4] =	stream.indirect_vreg.scatter [tilespmem:s28], [sflag:$0x3], $0x80, v4, vm15, $0xb8;
	[tilespmem:$0x9000] =	vst v63  }
0x270: {  	p0 =	sne.s32 s1, $0x1  }
0x271: {  	[hbm4b:s23+s4] =	stream.indirect_vreg.scatter [tilespmem:s26], [sflag:$0x3], $0x80, v4, vm15, $0xb8;
	[tilespmem:$0x9000] =	vst v63  }
.Ltmp13:
0x272: {  	_ = 	snop;
	(pc) =	sbr.rel @p0 .LBB2_16-.Ltmp13, $4  }
0x273: {  	s29 =	simm.s32 $0x3;
	s30 =	simm.s32 $0x8800  }
0x274: {  	[hbm4b:s31+s4] =	stream.indirect_vreg.scatter [tilespmem:s30], [sflag:$0x3], $0x80, v4, vm15, $0xb8;
	[tilespmem:$0x9000] =	vst v63  }
0x275: {  	_ =	swait.ge [sflag:s29], $0x8000  }
0x276: {  	s1 =	sadd.s32 $0xFFFFFFFF, s1;
	[sflag:s29] =	ssyncset.done $0x0  }
.Ltmp14:
0x277: {  	_ = 	snop;
	(pc) =	sbr.rel .LBB2_17-.Ltmp14, $1  }
0x278: {  	_ =	sdelay $0x3  }
.LBB2_19:
0x279: {  	_ =	sfence.sel $0x180000  }
0x27a: {  	[bflag:$0x0] =	sbarrier.arrive $0xFFFF  }
0x27b: {  	_ =	strace $0x90000047  }
0x27c: {  	s0 =	stileid.u32;
	[bflag:$0x2] =	sbarrier.arrive $0xFFFF  }
0x27d: {  	p0 =	sne.s32 s0, $0x0;
	s0 =	rddreg [dreg:$0x4]  }
0x27e: {  	s0 =	sadd.s32 @!p0 $0x100000, s0  }
0x27f: {  	[sflag:s0] =	ssyncadd.tile.s32 @!p0 $0x1;
	_ =	shalt  }
.Lfunc_end2:
_tile_overlayer_lowered:
.L_overlay_start_2:
0x280: {  	(tag) =	ssettag $0x2  }
0x281: {  	s0 =	rddreg [dreg:$0x0];
	s2 =	stileid.u32  }
0x282: {  	s1 =	rddreg [dreg:$0x1];
	p0 =	sne.s32 s2, $0x0  }
0x283: {  	s3 =	rddreg [dreg:$0x2];
	[bflag:$0x3] =	sbarrier.arrive $0xFFFF;
	s2 =	simm.s32 @!p0 $0x1C03  }
0x284: {  	[timem:s3], [sflag:s2] =	dma.local @!p0 [hbm:s0], s1  }
0x285: {  	s0 =	simm.s32 @!p0 $0x3  }
0x286: {  	_ =	swait.ge @!p0 [sflag:s0], s1  }
0x287: {  	s1 =	ssub.s32 @!p0 $0x0, s1;
	[sflag:s0] =	ssyncset.done @!p0 $0x0  }
0x288: {  	[sflag:s0] =	ssyncadd.s32 @!p0 s1  }
0x289: {  	[bflag:$0x3] =	sbarrier.arrive $0xFFFF  }
0x28a: {  	_ =	shalt  }

</sc_bundles>
